<compile_context>
chip_gen: v7x
topology: tpu7x:2x2x1
jax: 0.10.2.dev20260603
libtpu: 0.0.44.dev20260713+nightly
codegen_flags: <defaults>
</compile_context>

<pallas_src>
import functools

import jax
import jax.numpy as jnp
from jax import lax
from jax.experimental import pallas as pl
from jax.experimental.pallas import tpu as pltpu
from jax.experimental.pallas import tpu_sc as plsc

N_TOTAL = 16777216
N_BINS = 1024
NC = 2
NS = 16
L = 16
NW = NC * NS
PER_W = N_TOTAL // NW
BLK = 16384
NBLK = PER_W // BLK
NBUF = 4
NROUND = NBLK // NBUF

_mesh = plsc.VectorSubcoreMesh(core_axis_name="c", subcore_axis_name="s")


@functools.partial(
    pl.kernel,
    out_type=jax.ShapeDtypeStruct((NW, N_BINS), jnp.float32),
    mesh=_mesh,
    scratch_types=[
        pltpu.VMEM((BLK,), jnp.int32),
        pltpu.VMEM((BLK,), jnp.int32),
        pltpu.VMEM((BLK,), jnp.int32),
        pltpu.VMEM((BLK,), jnp.int32),
        pltpu.VMEM((L * N_BINS,), jnp.float32),
        pltpu.VMEM((N_BINS,), jnp.float32),
        pltpu.SemaphoreType.DMA,
        pltpu.SemaphoreType.DMA,
        pltpu.SemaphoreType.DMA,
        pltpu.SemaphoreType.DMA,
    ],
    compiler_params=pltpu.CompilerParams(needs_layout_passes=False),
)
def _sc_histogram(x_hbm, out_hbm, b0, b1, b2, b3, hists, hist1,
                  s0, s1, s2, s3):
    bufs = [b0, b1, b2, b3]
    sems = [s0, s1, s2, s3]
    wid = lax.axis_index("s") * NC + lax.axis_index("c")
    base = wid * PER_W

    for b in range(NBUF):
        pltpu.async_copy(x_hbm.at[pl.ds(base + b * BLK, BLK)], bufs[b], sems[b])

    zeros16 = jnp.zeros((L,), jnp.float32)

    @plsc.parallel_loop(0, (L * N_BINS) // L, unroll=8)
    def _zero(i):
        hists[pl.ds(i * L, L)] = zeros16

    lane_off = lax.iota(jnp.int32, L)
    ones16 = jnp.ones((L,), jnp.float32)

    def _scatter_block(buf):
        @plsc.parallel_loop(0, BLK // L, unroll=16)
        def _s(i):
            idx = lax.shift_left(buf[pl.ds(i * L, L)], 4) + lane_off
            plsc.addupdate_scatter(hists, [idx], ones16)

    def _round(g, c):
        for b in range(NBUF):
            pltpu.make_async_copy(x_hbm.at[pl.ds(0, BLK)], bufs[b], sems[b]).wait()
            _scatter_block(bufs[b])

            @pl.when(g < NROUND - 1)
            def _():
                pltpu.async_copy(
                    x_hbm.at[pl.ds(base + ((g + 1) * NBUF + b) * BLK, BLK)],
                    bufs[b], sems[b])

        return c

    lax.fori_loop(0, NROUND, _round, 0)

    red_idx = lax.iota(jnp.int32, L) * L

    @plsc.parallel_loop(0, N_BINS // L, unroll=2)
    def _red(g):
        base_i = g * (L * L) + red_idx
        acc = plsc.load_gather(hists, [base_i])
        for j in range(1, L):
            acc = acc + plsc.load_gather(hists, [base_i + j])
        hist1[pl.ds(g * L, L)] = acc

    pltpu.sync_copy(hist1, out_hbm.at[wid])


def _entropy_body(counts_ref, out_ref):
    c = counts_ref[...]
    counts = jnp.sum(c, axis=0, keepdims=True)
    total = jnp.sum(counts)
    p = counts / total
    out_ref[0, 0] = -jnp.sum(p * jnp.log(p + 1e-08))


_entropy_tc = pl.pallas_call(
    _entropy_body,
    out_shape=jax.ShapeDtypeStruct((1, 1), jnp.float32),
    in_specs=[pl.BlockSpec(memory_space=pltpu.VMEM)],
    out_specs=pl.BlockSpec(memory_space=pltpu.SMEM),
)


def kernel(cluster_assignments, n_clusters):
    counts = _sc_histogram(cluster_assignments)
    return _entropy_tc(counts)[0, 0]

# --- scband reference (transcript-rebuilt; emitter-appended) ---
"""Pipeline reference for scband-entropy-loss-7507602833893 (READ-ONLY COPY).

The authoritative reference and input builder live on the scoring server;
editing this copy changes nothing except your own understanding.
"""

import jax, jax.numpy as jnp
import numpy as np

N_CLUSTERS = 1024
N = 16777216

def setup_inputs(seed: int = 0) -> dict:
    key = jax.random.key(seed)
    cluster_assignments = jax.random.randint(key, (N,), 0, N_CLUSTERS, dtype=jnp.int64 if jax.config.jax_enable_x64 else jnp.int32)
    return {"cluster_assignments": cluster_assignments, "n_clusters": N_CLUSTERS}

def reference(cluster_assignments, n_clusters):
    # torch.bincount(x, minlength=n_clusters) -> jnp.bincount with static length
    cluster_counts = jnp.bincount(cluster_assignments, minlength=N_CLUSTERS, length=N_CLUSTERS).astype(jnp.float32)
    probabilities = cluster_counts / cluster_counts.sum()
    entropy = -jnp.sum(probabilities * jnp.log(probabilities + 1e-08))
    entropy = entropy + 0.0 * n_clusters
    # reduction == 'sum'
    return entropy

if __name__ == "__main__":
    import jax
    _d = setup_inputs()
    print(jax.jit(kernel)(*tuple(_d.values())))

</pallas_src>

<mosaic_0001>
#map = affine_map<(d0, d1) -> (0)>
#map1 = affine_map<(d0, d1) -> (0, 0)>
module attributes {stable_mosaic.version = 14 : i64} {
  func.func @_sc_histogram(%arg0: i32, %arg1: i32, %arg2: memref<16777216xi32, #tpu.memory_space<hbm>>, %arg3: memref<32x1024xf32, #tpu.memory_space<hbm>>, %arg4: memref<16384xi32, #tpu.memory_space<vmem>>, %arg5: memref<16384xi32, #tpu.memory_space<vmem>>, %arg6: memref<16384xi32, #tpu.memory_space<vmem>>, %arg7: memref<16384xi32, #tpu.memory_space<vmem>>, %arg8: memref<16384xf32, #tpu.memory_space<vmem>>, %arg9: memref<1024xf32, #tpu.memory_space<vmem>>, %arg10: memref<!tpu.dma_semaphore, #tpu.memory_space<semaphore_mem>>, %arg11: memref<!tpu.dma_semaphore, #tpu.memory_space<semaphore_mem>>, %arg12: memref<!tpu.dma_semaphore, #tpu.memory_space<semaphore_mem>>, %arg13: memref<!tpu.dma_semaphore, #tpu.memory_space<semaphore_mem>>) attributes {dimension_semantics = [#tpu.dimension_semantics<core_parallel>, #tpu.dimension_semantics<subcore_parallel>], iteration_bounds = array<i64: 2, 16>, scalar_prefetch = 0 : i64, scratch_operands = 10 : i64, tpu.core_type = #tpu.core_type<sc_vector_subcore>, window_params = [{transform_indices = #map}, {transform_indices = #map1}]} {
    %mul3A = arith.constant 2 : i32
    %mul3A_0 = arith.muli %arg1, %mul3A : i32
    %add3A = arith.addi %mul3A_0, %arg0 : i32
    %mul3A_1 = arith.constant 524288 : i32
    %mul3A_2 = arith.muli %add3A, %mul3A_1 : i32
    %add3A_3 = arith.constant 0 : i32
    %add3A_4 = arith.addi %mul3A_2, %add3A_3 : i32
    %dma_start3A = tpu.memref_slice %arg2[%add3A_4] : memref<16777216xi32, #tpu.memory_space<hbm>> -> memref<16384xi32, #tpu.memory_space<hbm>>
    %dma_start3A_5 = tpu.memref_slice %arg2[%add3A_4] : memref<16777216xi32, #tpu.memory_space<hbm>> -> memref<16384xi32, #tpu.memory_space<hbm>>
    tpu.enqueue_dma source(%dma_start3A_5 : memref<16384xi32, #tpu.memory_space<hbm>>) target(%arg4 : memref<16384xi32, #tpu.memory_space<vmem>>) target_semaphore(%arg10 : memref<!tpu.dma_semaphore, #tpu.memory_space<semaphore_mem>>)
    %add3A_6 = arith.constant 16384 : i32
    %add3A_7 = arith.addi %mul3A_2, %add3A_6 : i32
    %dma_start3A_8 = tpu.memref_slice %arg2[%add3A_7] : memref<16777216xi32, #tpu.memory_space<hbm>> -> memref<16384xi32, #tpu.memory_space<hbm>>
    %dma_start3A_9 = tpu.memref_slice %arg2[%add3A_7] : memref<16777216xi32, #tpu.memory_space<hbm>> -> memref<16384xi32, #tpu.memory_space<hbm>>
    tpu.enqueue_dma source(%dma_start3A_9 : memref<16384xi32, #tpu.memory_space<hbm>>) target(%arg5 : memref<16384xi32, #tpu.memory_space<vmem>>) target_semaphore(%arg11 : memref<!tpu.dma_semaphore, #tpu.memory_space<semaphore_mem>>)
    %add3A_10 = arith.constant 32768 : i32
    %add3A_11 = arith.addi %mul3A_2, %add3A_10 : i32
    %dma_start3A_12 = tpu.memref_slice %arg2[%add3A_11] : memref<16777216xi32, #tpu.memory_space<hbm>> -> memref<16384xi32, #tpu.memory_space<hbm>>
    %dma_start3A_13 = tpu.memref_slice %arg2[%add3A_11] : memref<16777216xi32, #tpu.memory_space<hbm>> -> memref<16384xi32, #tpu.memory_space<hbm>>
    tpu.enqueue_dma source(%dma_start3A_13 : memref<16384xi32, #tpu.memory_space<hbm>>) target(%arg6 : memref<16384xi32, #tpu.memory_space<vmem>>) target_semaphore(%arg12 : memref<!tpu.dma_semaphore, #tpu.memory_space<semaphore_mem>>)
    %add3A_14 = arith.constant 49152 : i32
    %add3A_15 = arith.addi %mul3A_2, %add3A_14 : i32
    %dma_start3A_16 = tpu.memref_slice %arg2[%add3A_15] : memref<16777216xi32, #tpu.memory_space<hbm>> -> memref<16384xi32, #tpu.memory_space<hbm>>
    %dma_start3A_17 = tpu.memref_slice %arg2[%add3A_15] : memref<16777216xi32, #tpu.memory_space<hbm>> -> memref<16384xi32, #tpu.memory_space<hbm>>
    tpu.enqueue_dma source(%dma_start3A_17 : memref<16384xi32, #tpu.memory_space<hbm>>) target(%arg7 : memref<16384xi32, #tpu.memory_space<vmem>>) target_semaphore(%arg13 : memref<!tpu.dma_semaphore, #tpu.memory_space<semaphore_mem>>)
    %broadcast_in_dim3A = arith.constant 0.000000e+00 : f32
    %broadcast_in_dim3A_18 = vector.broadcast %broadcast_in_dim3A : f32 to vector<16xf32>
    %parallel_loop3A = arith.constant 0 : i32
    %parallel_loop3A_19 = arith.constant 1024 : i32
    %parallel_loop3A_20 = arith.constant 1 : i32
    scf.for %parallel_loop3A_35 = %parallel_loop3A to %parallel_loop3A_19 step %parallel_loop3A_20  : i32 {
      %parallel_loop3A_36 = arith.constant 16 : i32
      %parallel_loop3A_37 = arith.muli %parallel_loop3A_35, %parallel_loop3A_36 : i32
      %parallel_loop3A_38 = arith.index_cast %parallel_loop3A_37 : i32 to index
      %parallel_loop3A_39 = tpu.vector_load %arg8[%parallel_loop3A_38] {strides = array<i32>} : memref<16384xf32, #tpu.memory_space<vmem>>, vector<16xf32>,
      tpu.vector_store %arg8[%parallel_loop3A_38], %broadcast_in_dim3A_18 {strides = array<i32>} : memref<16384xf32, #tpu.memory_space<vmem>>, vector<16xf32>,
    } {sc.loop_unroll_factor = 8 : i64, sc.parallel_access}
    %iota3A = tpu.iota {dimensions = array<i32: 0>} : vector<16xi32>
    %broadcast_in_dim3A_21 = arith.constant 1.000000e+00 : f32
    %broadcast_in_dim3A_22 = vector.broadcast %broadcast_in_dim3A_21 : f32 to vector<16xf32>
    %scan3A = arith.constant 0 : i32
    %scan3A_23 = arith.constant 0 : i32
    %scan3A_24 = arith.constant 8 : i32
    %scan3A_25 = arith.addi %scan3A_23, %scan3A_24 : i32
    %scan3A_26 = arith.constant 1 : i32
    scf.for %scan3A_35 = %scan3A_23 to %scan3A_25 step %scan3A_26  : i32 {
      %dma_wait3A = arith.constant 0 : i32
      %dma_wait3A_36 = tpu.memref_slice %arg2[%dma_wait3A] : memref<16777216xi32, #tpu.memory_space<hbm>> -> memref<16384xi32, #tpu.memory_space<hbm>>
      %dma_wait3A_37 = arith.constant 0 : i32
      %dma_wait3A_38 = tpu.memref_slice %arg2[%dma_wait3A_37] : memref<16777216xi32, #tpu.memory_space<hbm>> -> memref<16384xi32, #tpu.memory_space<hbm>>
      tpu.wait_dma2 semaphore(%arg10 : memref<!tpu.dma_semaphore, #tpu.memory_space<semaphore_mem>>) src(%dma_wait3A_38 : memref<16384xi32, #tpu.memory_space<hbm>>) dst(%arg4 : memref<16384xi32, #tpu.memory_space<vmem>>)
      %parallel_loop3A_39 = arith.constant 0 : i32
      %parallel_loop3A_40 = arith.constant 1024 : i32
      %parallel_loop3A_41 = arith.constant 1 : i32
      scf.for %parallel_loop3A_80 = %parallel_loop3A_39 to %parallel_loop3A_40 step %parallel_loop3A_41  : i32 {
        %parallel_loop3A_81 = arith.constant 16 : i32
        %parallel_loop3A_82 = arith.muli %parallel_loop3A_80, %parallel_loop3A_81 : i32
        %parallel_loop3A_83 = arith.index_cast %parallel_loop3A_82 : i32 to index
        %parallel_loop3A_84 = tpu.vector_load %arg4[%parallel_loop3A_83] {strides = array<i32>} : memref<16384xi32, #tpu.memory_space<vmem>>, vector<16xi32>,
        %parallel_loop3A_85 = arith.constant 4 : i32
        %parallel_loop3A_86 = vector.broadcast %parallel_loop3A_85 : i32 to vector<16xi32>
        %parallel_loop3A_87 = arith.shli %parallel_loop3A_84, %parallel_loop3A_86 : vector<16xi32>
        %parallel_loop3A_88 = arith.addi %parallel_loop3A_87, %iota3A : vector<16xi32>
        tpu.vector_store_idx %arg8[%parallel_loop3A_88], %broadcast_in_dim3A_22 {add = true} : memref<16384xf32, #tpu.memory_space<vmem>>[vector<16xi32>], vector<16xf32>,
      } {sc.loop_unroll_factor = 16 : i64, sc.parallel_access}
      %lt3A = arith.constant 7 : i32
      %lt3A_42 = arith.cmpi slt, %scan3A_35, %lt3A : i32
      %convert_element_type3A = arith.extui %lt3A_42 : i1 to i32
      %cond3A = arith.constant 0 : i32
      %cond3A_43 = arith.cmpi ne, %convert_element_type3A, %cond3A : i32
      scf.if %cond3A_43 {
        %add3A_80 = arith.constant 1 : i32
        %add3A_81 = arith.addi %scan3A_35, %add3A_80 : i32
        %mul3A_82 = arith.constant 4 : i32
        %mul3A_83 = arith.muli %add3A_81, %mul3A_82 : i32
        %add3A_84 = arith.constant 0 : i32
        %add3A_85 = arith.addi %mul3A_83, %add3A_84 : i32
        %mul3A_86 = arith.constant 16384 : i32
        %mul3A_87 = arith.muli %add3A_85, %mul3A_86 : i32
        %add3A_88 = arith.addi %mul3A_2, %mul3A_87 : i32
        %dma_start3A_89 = tpu.memref_slice %arg2[%add3A_88] : memref<16777216xi32, #tpu.memory_space<hbm>> -> memref<16384xi32, #tpu.memory_space<hbm>>
        %dma_start3A_90 = tpu.memref_slice %arg2[%add3A_88] : memref<16777216xi32, #tpu.memory_space<hbm>> -> memref<16384xi32, #tpu.memory_space<hbm>>
        tpu.enqueue_dma source(%dma_start3A_90 : memref<16384xi32, #tpu.memory_space<hbm>>) target(%arg4 : memref<16384xi32, #tpu.memory_space<vmem>>) target_semaphore(%arg10 : memref<!tpu.dma_semaphore, #tpu.memory_space<semaphore_mem>>)
      } else {
      }
      %dma_wait3A_44 = arith.constant 0 : i32
      %dma_wait3A_45 = tpu.memref_slice %arg2[%dma_wait3A_44] : memref<16777216xi32, #tpu.memory_space<hbm>> -> memref<16384xi32, #tpu.memory_space<hbm>>
      %dma_wait3A_46 = arith.constant 0 : i32
      %dma_wait3A_47 = tpu.memref_slice %arg2[%dma_wait3A_46] : memref<16777216xi32, #tpu.memory_space<hbm>> -> memref<16384xi32, #tpu.memory_space<hbm>>
      tpu.wait_dma2 semaphore(%arg11 : memref<!tpu.dma_semaphore, #tpu.memory_space<semaphore_mem>>) src(%dma_wait3A_47 : memref<16384xi32, #tpu.memory_space<hbm>>) dst(%arg5 : memref<16384xi32, #tpu.memory_space<vmem>>)
      %parallel_loop3A_48 = arith.constant 0 : i32
      %parallel_loop3A_49 = arith.constant 1024 : i32
      %parallel_loop3A_50 = arith.constant 1 : i32
      scf.for %parallel_loop3A_80 = %parallel_loop3A_48 to %parallel_loop3A_49 step %parallel_loop3A_50  : i32 {
        %parallel_loop3A_81 = arith.constant 16 : i32
        %parallel_loop3A_82 = arith.muli %parallel_loop3A_80, %parallel_loop3A_81 : i32
        %parallel_loop3A_83 = arith.index_cast %parallel_loop3A_82 : i32 to index
        %parallel_loop3A_84 = tpu.vector_load %arg5[%parallel_loop3A_83] {strides = array<i32>} : memref<16384xi32, #tpu.memory_space<vmem>>, vector<16xi32>,
        %parallel_loop3A_85 = arith.constant 4 : i32
        %parallel_loop3A_86 = vector.broadcast %parallel_loop3A_85 : i32 to vector<16xi32>
        %parallel_loop3A_87 = arith.shli %parallel_loop3A_84, %parallel_loop3A_86 : vector<16xi32>
        %parallel_loop3A_88 = arith.addi %parallel_loop3A_87, %iota3A : vector<16xi32>
        tpu.vector_store_idx %arg8[%parallel_loop3A_88], %broadcast_in_dim3A_22 {add = true} : memref<16384xf32, #tpu.memory_space<vmem>>[vector<16xi32>], vector<16xf32>,
      } {sc.loop_unroll_factor = 16 : i64, sc.parallel_access}
      %lt3A_51 = arith.constant 7 : i32
      %lt3A_52 = arith.cmpi slt, %scan3A_35, %lt3A_51 : i32
      %convert_element_type3A_53 = arith.extui %lt3A_52 : i1 to i32
      %cond3A_54 = arith.constant 0 : i32
      %cond3A_55 = arith.cmpi ne, %convert_element_type3A_53, %cond3A_54 : i32
      scf.if %cond3A_55 {
        %add3A_80 = arith.constant 1 : i32
        %add3A_81 = arith.addi %scan3A_35, %add3A_80 : i32
        %mul3A_82 = arith.constant 4 : i32
        %mul3A_83 = arith.muli %add3A_81, %mul3A_82 : i32
        %add3A_84 = arith.constant 1 : i32
        %add3A_85 = arith.addi %mul3A_83, %add3A_84 : i32
        %mul3A_86 = arith.constant 16384 : i32
        %mul3A_87 = arith.muli %add3A_85, %mul3A_86 : i32
        %add3A_88 = arith.addi %mul3A_2, %mul3A_87 : i32
        %dma_start3A_89 = tpu.memref_slice %arg2[%add3A_88] : memref<16777216xi32, #tpu.memory_space<hbm>> -> memref<16384xi32, #tpu.memory_space<hbm>>
        %dma_start3A_90 = tpu.memref_slice %arg2[%add3A_88] : memref<16777216xi32, #tpu.memory_space<hbm>> -> memref<16384xi32, #tpu.memory_space<hbm>>
        tpu.enqueue_dma source(%dma_start3A_90 : memref<16384xi32, #tpu.memory_space<hbm>>) target(%arg5 : memref<16384xi32, #tpu.memory_space<vmem>>) target_semaphore(%arg11 : memref<!tpu.dma_semaphore, #tpu.memory_space<semaphore_mem>>)
      } else {
      }
      %dma_wait3A_56 = arith.constant 0 : i32
      %dma_wait3A_57 = tpu.memref_slice %arg2[%dma_wait3A_56] : memref<16777216xi32, #tpu.memory_space<hbm>> -> memref<16384xi32, #tpu.memory_space<hbm>>
      %dma_wait3A_58 = arith.constant 0 : i32
      %dma_wait3A_59 = tpu.memref_slice %arg2[%dma_wait3A_58] : memref<16777216xi32, #tpu.memory_space<hbm>> -> memref<16384xi32, #tpu.memory_space<hbm>>
      tpu.wait_dma2 semaphore(%arg12 : memref<!tpu.dma_semaphore, #tpu.memory_space<semaphore_mem>>) src(%dma_wait3A_59 : memref<16384xi32, #tpu.memory_space<hbm>>) dst(%arg6 : memref<16384xi32, #tpu.memory_space<vmem>>)
      %parallel_loop3A_60 = arith.constant 0 : i32
      %parallel_loop3A_61 = arith.constant 1024 : i32
      %parallel_loop3A_62 = arith.constant 1 : i32
      scf.for %parallel_loop3A_80 = %parallel_loop3A_60 to %parallel_loop3A_61 step %parallel_loop3A_62  : i32 {
        %parallel_loop3A_81 = arith.constant 16 : i32
        %parallel_loop3A_82 = arith.muli %parallel_loop3A_80, %parallel_loop3A_81 : i32
        %parallel_loop3A_83 = arith.index_cast %parallel_loop3A_82 : i32 to index
        %parallel_loop3A_84 = tpu.vector_load %arg6[%parallel_loop3A_83] {strides = array<i32>} : memref<16384xi32, #tpu.memory_space<vmem>>, vector<16xi32>,
        %parallel_loop3A_85 = arith.constant 4 : i32
        %parallel_loop3A_86 = vector.broadcast %parallel_loop3A_85 : i32 to vector<16xi32>
        %parallel_loop3A_87 = arith.shli %parallel_loop3A_84, %parallel_loop3A_86 : vector<16xi32>
        %parallel_loop3A_88 = arith.addi %parallel_loop3A_87, %iota3A : vector<16xi32>
        tpu.vector_store_idx %arg8[%parallel_loop3A_88], %broadcast_in_dim3A_22 {add = true} : memref<16384xf32, #tpu.memory_space<vmem>>[vector<16xi32>], vector<16xf32>,
      } {sc.loop_unroll_factor = 16 : i64, sc.parallel_access}
      %lt3A_63 = arith.constant 7 : i32
      %lt3A_64 = arith.cmpi slt, %scan3A_35, %lt3A_63 : i32
      %convert_element_type3A_65 = arith.extui %lt3A_64 : i1 to i32
      %cond3A_66 = arith.constant 0 : i32
      %cond3A_67 = arith.cmpi ne, %convert_element_type3A_65, %cond3A_66 : i32
      scf.if %cond3A_67 {
        %add3A_80 = arith.constant 1 : i32
        %add3A_81 = arith.addi %scan3A_35, %add3A_80 : i32
        %mul3A_82 = arith.constant 4 : i32
        %mul3A_83 = arith.muli %add3A_81, %mul3A_82 : i32
        %add3A_84 = arith.constant 2 : i32
        %add3A_85 = arith.addi %mul3A_83, %add3A_84 : i32
        %mul3A_86 = arith.constant 16384 : i32
        %mul3A_87 = arith.muli %add3A_85, %mul3A_86 : i32
        %add3A_88 = arith.addi %mul3A_2, %mul3A_87 : i32
        %dma_start3A_89 = tpu.memref_slice %arg2[%add3A_88] : memref<16777216xi32, #tpu.memory_space<hbm>> -> memref<16384xi32, #tpu.memory_space<hbm>>
        %dma_start3A_90 = tpu.memref_slice %arg2[%add3A_88] : memref<16777216xi32, #tpu.memory_space<hbm>> -> memref<16384xi32, #tpu.memory_space<hbm>>
        tpu.enqueue_dma source(%dma_start3A_90 : memref<16384xi32, #tpu.memory_space<hbm>>) target(%arg6 : memref<16384xi32, #tpu.memory_space<vmem>>) target_semaphore(%arg12 : memref<!tpu.dma_semaphore, #tpu.memory_space<semaphore_mem>>)
      } else {
      }
      %dma_wait3A_68 = arith.constant 0 : i32
      %dma_wait3A_69 = tpu.memref_slice %arg2[%dma_wait3A_68] : memref<16777216xi32, #tpu.memory_space<hbm>> -> memref<16384xi32, #tpu.memory_space<hbm>>
      %dma_wait3A_70 = arith.constant 0 : i32
      %dma_wait3A_71 = tpu.memref_slice %arg2[%dma_wait3A_70] : memref<16777216xi32, #tpu.memory_space<hbm>> -> memref<16384xi32, #tpu.memory_space<hbm>>
      tpu.wait_dma2 semaphore(%arg13 : memref<!tpu.dma_semaphore, #tpu.memory_space<semaphore_mem>>) src(%dma_wait3A_71 : memref<16384xi32, #tpu.memory_space<hbm>>) dst(%arg7 : memref<16384xi32, #tpu.memory_space<vmem>>)
      %parallel_loop3A_72 = arith.constant 0 : i32
      %parallel_loop3A_73 = arith.constant 1024 : i32
      %parallel_loop3A_74 = arith.constant 1 : i32
      scf.for %parallel_loop3A_80 = %parallel_loop3A_72 to %parallel_loop3A_73 step %parallel_loop3A_74  : i32 {
        %parallel_loop3A_81 = arith.constant 16 : i32
        %parallel_loop3A_82 = arith.muli %parallel_loop3A_80, %parallel_loop3A_81 : i32
        %parallel_loop3A_83 = arith.index_cast %parallel_loop3A_82 : i32 to index
        %parallel_loop3A_84 = tpu.vector_load %arg7[%parallel_loop3A_83] {strides = array<i32>} : memref<16384xi32, #tpu.memory_space<vmem>>, vector<16xi32>,
        %parallel_loop3A_85 = arith.constant 4 : i32
        %parallel_loop3A_86 = vector.broadcast %parallel_loop3A_85 : i32 to vector<16xi32>
        %parallel_loop3A_87 = arith.shli %parallel_loop3A_84, %parallel_loop3A_86 : vector<16xi32>
        %parallel_loop3A_88 = arith.addi %parallel_loop3A_87, %iota3A : vector<16xi32>
        tpu.vector_store_idx %arg8[%parallel_loop3A_88], %broadcast_in_dim3A_22 {add = true} : memref<16384xf32, #tpu.memory_space<vmem>>[vector<16xi32>], vector<16xf32>,
      } {sc.loop_unroll_factor = 16 : i64, sc.parallel_access}
      %lt3A_75 = arith.constant 7 : i32
      %lt3A_76 = arith.cmpi slt, %scan3A_35, %lt3A_75 : i32
      %convert_element_type3A_77 = arith.extui %lt3A_76 : i1 to i32
      %cond3A_78 = arith.constant 0 : i32
      %cond3A_79 = arith.cmpi ne, %convert_element_type3A_77, %cond3A_78 : i32
      scf.if %cond3A_79 {
        %add3A_80 = arith.constant 1 : i32
        %add3A_81 = arith.addi %scan3A_35, %add3A_80 : i32
        %mul3A_82 = arith.constant 4 : i32
        %mul3A_83 = arith.muli %add3A_81, %mul3A_82 : i32
        %add3A_84 = arith.constant 3 : i32
        %add3A_85 = arith.addi %mul3A_83, %add3A_84 : i32
        %mul3A_86 = arith.constant 16384 : i32
        %mul3A_87 = arith.muli %add3A_85, %mul3A_86 : i32
        %add3A_88 = arith.addi %mul3A_2, %mul3A_87 : i32
        %dma_start3A_89 = tpu.memref_slice %arg2[%add3A_88] : memref<16777216xi32, #tpu.memory_space<hbm>> -> memref<16384xi32, #tpu.memory_space<hbm>>
        %dma_start3A_90 = tpu.memref_slice %arg2[%add3A_88] : memref<16777216xi32, #tpu.memory_space<hbm>> -> memref<16384xi32, #tpu.memory_space<hbm>>
        tpu.enqueue_dma source(%dma_start3A_90 : memref<16384xi32, #tpu.memory_space<hbm>>) target(%arg7 : memref<16384xi32, #tpu.memory_space<vmem>>) target_semaphore(%arg13 : memref<!tpu.dma_semaphore, #tpu.memory_space<semaphore_mem>>)
      } else {
      }
    }
    %scan3A_27 = arith.constant 8 : i32
    %iota3A_28 = tpu.iota {dimensions = array<i32: 0>} : vector<16xi32>
    %mul3A_29 = arith.constant 16 : i32
    %mul3A_30 = vector.broadcast %mul3A_29 : i32 to vector<16xi32>
    %mul3A_31 = arith.muli %iota3A_28, %mul3A_30 : vector<16xi32>
    %parallel_loop3A_32 = arith.constant 0 : i32
    %parallel_loop3A_33 = arith.constant 64 : i32
    %parallel_loop3A_34 = arith.constant 1 : i32
    scf.for %parallel_loop3A_35 = %parallel_loop3A_32 to %parallel_loop3A_33 step %parallel_loop3A_34  : i32 {
      %parallel_loop3A_36 = arith.constant 256 : i32
      %parallel_loop3A_37 = arith.muli %parallel_loop3A_35, %parallel_loop3A_36 : i32
      %parallel_loop3A_38 = vector.broadcast %parallel_loop3A_37 : i32 to vector<16xi32>
      %parallel_loop3A_39 = arith.addi %parallel_loop3A_38, %mul3A_31 : vector<16xi32>
      %parallel_loop3A_40 = tpu.vector_load_idx %arg8[%parallel_loop3A_39] : memref<16384xf32, #tpu.memory_space<vmem>>[vector<16xi32>], vector<16xf32>,
      %parallel_loop3A_41 = arith.constant 1 : i32
      %parallel_loop3A_42 = vector.broadcast %parallel_loop3A_41 : i32 to vector<16xi32>
      %parallel_loop3A_43 = arith.addi %parallel_loop3A_39, %parallel_loop3A_42 : vector<16xi32>
      %parallel_loop3A_44 = tpu.vector_load_idx %arg8[%parallel_loop3A_43] : memref<16384xf32, #tpu.memory_space<vmem>>[vector<16xi32>], vector<16xf32>,
      %parallel_loop3A_45 = arith.addf %parallel_loop3A_40, %parallel_loop3A_44 : vector<16xf32>
      %parallel_loop3A_46 = arith.constant 2 : i32
      %parallel_loop3A_47 = vector.broadcast %parallel_loop3A_46 : i32 to vector<16xi32>
      %parallel_loop3A_48 = arith.addi %parallel_loop3A_39, %parallel_loop3A_47 : vector<16xi32>
      %parallel_loop3A_49 = tpu.vector_load_idx %arg8[%parallel_loop3A_48] : memref<16384xf32, #tpu.memory_space<vmem>>[vector<16xi32>], vector<16xf32>,
      %parallel_loop3A_50 = arith.addf %parallel_loop3A_45, %parallel_loop3A_49 : vector<16xf32>
      %parallel_loop3A_51 = arith.constant 3 : i32
      %parallel_loop3A_52 = vector.broadcast %parallel_loop3A_51 : i32 to vector<16xi32>
      %parallel_loop3A_53 = arith.addi %parallel_loop3A_39, %parallel_loop3A_52 : vector<16xi32>
      %parallel_loop3A_54 = tpu.vector_load_idx %arg8[%parallel_loop3A_53] : memref<16384xf32, #tpu.memory_space<vmem>>[vector<16xi32>], vector<16xf32>,
      %parallel_loop3A_55 = arith.addf %parallel_loop3A_50, %parallel_loop3A_54 : vector<16xf32>
      %parallel_loop3A_56 = arith.constant 4 : i32
      %parallel_loop3A_57 = vector.broadcast %parallel_loop3A_56 : i32 to vector<16xi32>
      %parallel_loop3A_58 = arith.addi %parallel_loop3A_39, %parallel_loop3A_57 : vector<16xi32>
      %parallel_loop3A_59 = tpu.vector_load_idx %arg8[%parallel_loop3A_58] : memref<16384xf32, #tpu.memory_space<vmem>>[vector<16xi32>], vector<16xf32>,
      %parallel_loop3A_60 = arith.addf %parallel_loop3A_55, %parallel_loop3A_59 : vector<16xf32>
      %parallel_loop3A_61 = arith.constant 5 : i32
      %parallel_loop3A_62 = vector.broadcast %parallel_loop3A_61 : i32 to vector<16xi32>
      %parallel_loop3A_63 = arith.addi %parallel_loop3A_39, %parallel_loop3A_62 : vector<16xi32>
      %parallel_loop3A_64 = tpu.vector_load_idx %arg8[%parallel_loop3A_63] : memref<16384xf32, #tpu.memory_space<vmem>>[vector<16xi32>], vector<16xf32>,
      %parallel_loop3A_65 = arith.addf %parallel_loop3A_60, %parallel_loop3A_64 : vector<16xf32>
      %parallel_loop3A_66 = arith.constant 6 : i32
      %parallel_loop3A_67 = vector.broadcast %parallel_loop3A_66 : i32 to vector<16xi32>
      %parallel_loop3A_68 = arith.addi %parallel_loop3A_39, %parallel_loop3A_67 : vector<16xi32>
      %parallel_loop3A_69 = tpu.vector_load_idx %arg8[%parallel_loop3A_68] : memref<16384xf32, #tpu.memory_space<vmem>>[vector<16xi32>], vector<16xf32>,
      %parallel_loop3A_70 = arith.addf %parallel_loop3A_65, %parallel_loop3A_69 : vector<16xf32>
      %parallel_loop3A_71 = arith.constant 7 : i32
      %parallel_loop3A_72 = vector.broadcast %parallel_loop3A_71 : i32 to vector<16xi32>
      %parallel_loop3A_73 = arith.addi %parallel_loop3A_39, %parallel_loop3A_72 : vector<16xi32>
      %parallel_loop3A_74 = tpu.vector_load_idx %arg8[%parallel_loop3A_73] : memref<16384xf32, #tpu.memory_space<vmem>>[vector<16xi32>], vector<16xf32>,
      %parallel_loop3A_75 = arith.addf %parallel_loop3A_70, %parallel_loop3A_74 : vector<16xf32>
      %parallel_loop3A_76 = arith.constant 8 : i32
      %parallel_loop3A_77 = vector.broadcast %parallel_loop3A_76 : i32 to vector<16xi32>
      %parallel_loop3A_78 = arith.addi %parallel_loop3A_39, %parallel_loop3A_77 : vector<16xi32>
      %parallel_loop3A_79 = tpu.vector_load_idx %arg8[%parallel_loop3A_78] : memref<16384xf32, #tpu.memory_space<vmem>>[vector<16xi32>], vector<16xf32>,
      %parallel_loop3A_80 = arith.addf %parallel_loop3A_75, %parallel_loop3A_79 : vector<16xf32>
      %parallel_loop3A_81 = arith.constant 9 : i32
      %parallel_loop3A_82 = vector.broadcast %parallel_loop3A_81 : i32 to vector<16xi32>
      %parallel_loop3A_83 = arith.addi %parallel_loop3A_39, %parallel_loop3A_82 : vector<16xi32>
      %parallel_loop3A_84 = tpu.vector_load_idx %arg8[%parallel_loop3A_83] : memref<16384xf32, #tpu.memory_space<vmem>>[vector<16xi32>], vector<16xf32>,
      %parallel_loop3A_85 = arith.addf %parallel_loop3A_80, %parallel_loop3A_84 : vector<16xf32>
      %parallel_loop3A_86 = arith.constant 10 : i32
      %parallel_loop3A_87 = vector.broadcast %parallel_loop3A_86 : i32 to vector<16xi32>
      %parallel_loop3A_88 = arith.addi %parallel_loop3A_39, %parallel_loop3A_87 : vector<16xi32>
      %parallel_loop3A_89 = tpu.vector_load_idx %arg8[%parallel_loop3A_88] : memref<16384xf32, #tpu.memory_space<vmem>>[vector<16xi32>], vector<16xf32>,
      %parallel_loop3A_90 = arith.addf %parallel_loop3A_85, %parallel_loop3A_89 : vector<16xf32>
      %parallel_loop3A_91 = arith.constant 11 : i32
      %parallel_loop3A_92 = vector.broadcast %parallel_loop3A_91 : i32 to vector<16xi32>
      %parallel_loop3A_93 = arith.addi %parallel_loop3A_39, %parallel_loop3A_92 : vector<16xi32>
      %parallel_loop3A_94 = tpu.vector_load_idx %arg8[%parallel_loop3A_93] : memref<16384xf32, #tpu.memory_space<vmem>>[vector<16xi32>], vector<16xf32>,
      %parallel_loop3A_95 = arith.addf %parallel_loop3A_90, %parallel_loop3A_94 : vector<16xf32>
      %parallel_loop3A_96 = arith.constant 12 : i32
      %parallel_loop3A_97 = vector.broadcast %parallel_loop3A_96 : i32 to vector<16xi32>
      %parallel_loop3A_98 = arith.addi %parallel_loop3A_39, %parallel_loop3A_97 : vector<16xi32>
      %parallel_loop3A_99 = tpu.vector_load_idx %arg8[%parallel_loop3A_98] : memref<16384xf32, #tpu.memory_space<vmem>>[vector<16xi32>], vector<16xf32>,
      %parallel_loop3A_100 = arith.addf %parallel_loop3A_95, %parallel_loop3A_99 : vector<16xf32>
      %parallel_loop3A_101 = arith.constant 13 : i32
      %parallel_loop3A_102 = vector.broadcast %parallel_loop3A_101 : i32 to vector<16xi32>
      %parallel_loop3A_103 = arith.addi %parallel_loop3A_39, %parallel_loop3A_102 : vector<16xi32>
      %parallel_loop3A_104 = tpu.vector_load_idx %arg8[%parallel_loop3A_103] : memref<16384xf32, #tpu.memory_space<vmem>>[vector<16xi32>], vector<16xf32>,
      %parallel_loop3A_105 = arith.addf %parallel_loop3A_100, %parallel_loop3A_104 : vector<16xf32>
      %parallel_loop3A_106 = arith.constant 14 : i32
      %parallel_loop3A_107 = vector.broadcast %parallel_loop3A_106 : i32 to vector<16xi32>
      %parallel_loop3A_108 = arith.addi %parallel_loop3A_39, %parallel_loop3A_107 : vector<16xi32>
      %parallel_loop3A_109 = tpu.vector_load_idx %arg8[%parallel_loop3A_108] : memref<16384xf32, #tpu.memory_space<vmem>>[vector<16xi32>], vector<16xf32>,
      %parallel_loop3A_110 = arith.addf %parallel_loop3A_105, %parallel_loop3A_109 : vector<16xf32>
      %parallel_loop3A_111 = arith.constant 15 : i32
      %parallel_loop3A_112 = vector.broadcast %parallel_loop3A_111 : i32 to vector<16xi32>
      %parallel_loop3A_113 = arith.addi %parallel_loop3A_39, %parallel_loop3A_112 : vector<16xi32>
      %parallel_loop3A_114 = tpu.vector_load_idx %arg8[%parallel_loop3A_113] : memref<16384xf32, #tpu.memory_space<vmem>>[vector<16xi32>], vector<16xf32>,
      %parallel_loop3A_115 = arith.addf %parallel_loop3A_110, %parallel_loop3A_114 : vector<16xf32>
      %parallel_loop3A_116 = arith.constant 16 : i32
      %parallel_loop3A_117 = arith.muli %parallel_loop3A_35, %parallel_loop3A_116 : i32
      %parallel_loop3A_118 = arith.index_cast %parallel_loop3A_117 : i32 to index
      %parallel_loop3A_119 = tpu.vector_load %arg9[%parallel_loop3A_118] {strides = array<i32>} : memref<1024xf32, #tpu.memory_space<vmem>>, vector<16xf32>,
      tpu.vector_store %arg9[%parallel_loop3A_118], %parallel_loop3A_115 {strides = array<i32>} : memref<1024xf32, #tpu.memory_space<vmem>>, vector<16xf32>,
    } {sc.loop_unroll_factor = 2 : i64, sc.parallel_access}
    "tpu.region"() ({
      %run_scoped3A = tpu.sem_alloc : memref<!tpu.dma_semaphore, #tpu.memory_space<semaphore_mem>>
      %dma_start3A_35 = arith.constant 0 : i32
      %dma_start3A_36 = tpu.memref_slice %arg3[%add3A, %dma_start3A_35] : memref<32x1024xf32, #tpu.memory_space<hbm>> -> memref<1x1024xf32, #tpu.memory_space<hbm>>
      %dma_start3A_37 = tpu.memref_squeeze %dma_start3A_36 : memref<1x1024xf32, #tpu.memory_space<hbm>> -> memref<1024xf32, #tpu.memory_space<hbm>>
      %dma_start3A_38 = arith.constant 0 : i32
      %dma_start3A_39 = tpu.memref_slice %arg3[%add3A, %dma_start3A_38] : memref<32x1024xf32, #tpu.memory_space<hbm>> -> memref<1x1024xf32, #tpu.memory_space<hbm>>
      %dma_start3A_40 = tpu.memref_squeeze %dma_start3A_39 : memref<1x1024xf32, #tpu.memory_space<hbm>> -> memref<1024xf32, #tpu.memory_space<hbm>>
      tpu.enqueue_dma source(%arg9 : memref<1024xf32, #tpu.memory_space<vmem>>) target(%dma_start3A_40 : memref<1024xf32, #tpu.memory_space<hbm>>) target_semaphore(%run_scoped3A : memref<!tpu.dma_semaphore, #tpu.memory_space<semaphore_mem>>)
      %dma_wait3A = arith.constant 0 : i32
      %dma_wait3A_41 = tpu.memref_slice %arg3[%add3A, %dma_wait3A] : memref<32x1024xf32, #tpu.memory_space<hbm>> -> memref<1x1024xf32, #tpu.memory_space<hbm>>
      %dma_wait3A_42 = tpu.memref_squeeze %dma_wait3A_41 : memref<1x1024xf32, #tpu.memory_space<hbm>> -> memref<1024xf32, #tpu.memory_space<hbm>>
      %dma_wait3A_43 = arith.constant 0 : i32
      %dma_wait3A_44 = tpu.memref_slice %arg3[%add3A, %dma_wait3A_43] : memref<32x1024xf32, #tpu.memory_space<hbm>> -> memref<1x1024xf32, #tpu.memory_space<hbm>>
      %dma_wait3A_45 = tpu.memref_squeeze %dma_wait3A_44 : memref<1x1024xf32, #tpu.memory_space<hbm>> -> memref<1024xf32, #tpu.memory_space<hbm>>
      tpu.wait_dma2 semaphore(%run_scoped3A : memref<!tpu.dma_semaphore, #tpu.memory_space<semaphore_mem>>) src(%arg9 : memref<1024xf32, #tpu.memory_space<vmem>>) dst(%dma_wait3A_45 : memref<1024xf32, #tpu.memory_space<hbm>>)
      tpu.yield
    }) : () -> ()
    return
  }
}

module attributes {stable_mosaic.version = 14 : i64} {
  func.func @_entropy_body(%arg0: memref<32x1024xf32, #tpu.memory_space<vmem>>, %arg1: memref<1x1xf32, #tpu.memory_space<smem>>) attributes {dimension_semantics = [], scalar_prefetch = 0 : i64, scratch_operands = 0 : i64, tpu.core_type = #tpu.core_type<tc>} {
    %get3A = arith.constant 0 : index
    %get3A_0 = arith.constant 0 : index
    %get3A_1 = vector.load %arg0[%get3A, %get3A_0] : memref<32x1024xf32, #tpu.memory_space<vmem>>, vector<32x1024xf32>
    %reduce_sum3A = arith.constant dense<0.000000e+00> : vector<1024xf32>
    %reduce_sum3A_2 = vector.multi_reduction <add>, %get3A_1, %reduce_sum3A [0] : vector<32x1024xf32> to vector<1024xf32>
    %broadcast_in_dim3A = vector.shape_cast %reduce_sum3A_2 : vector<1024xf32> to vector<1x1024xf32>
    %reduce_sum3A_3 = vector.shape_cast %broadcast_in_dim3A : vector<1x1024xf32> to vector<1x1x1024xf32>
    %reduce_sum3A_4 = arith.constant dense<0.000000e+00> : vector<1xf32>
    %reduce_sum3A_5 = vector.multi_reduction <add>, %reduce_sum3A_3, %reduce_sum3A_4 [1, 2] : vector<1x1x1024xf32> to vector<1xf32>
    %reduce_sum3A_6 = vector.shape_cast %reduce_sum3A_5 : vector<1xf32> to vector<1x1x1xf32>
    %reduce_sum3A_7 = vector.extract %reduce_sum3A_6[0, 0, 0] : f32 from vector<1x1x1xf32>
    %div3A = vector.broadcast %reduce_sum3A_7 : f32 to vector<1x1024xf32>
    %div3A_8 = arith.divf %broadcast_in_dim3A, %div3A : vector<1x1024xf32>
    %add3A = arith.constant 9.99999993E-9 : f32
    %add3A_9 = vector.broadcast %add3A : f32 to vector<1x1024xf32>
    %add3A_10 = arith.addf %div3A_8, %add3A_9 : vector<1x1024xf32>
    %log3A = math.log %add3A_10 : vector<1x1024xf32>
    %mul3A = arith.mulf %div3A_8, %log3A : vector<1x1024xf32>
    %reduce_sum3A_11 = vector.shape_cast %mul3A : vector<1x1024xf32> to vector<1x1x1024xf32>
    %reduce_sum3A_12 = arith.constant dense<0.000000e+00> : vector<1xf32>
    %reduce_sum3A_13 = vector.multi_reduction <add>, %reduce_sum3A_11, %reduce_sum3A_12 [1, 2] : vector<1x1x1024xf32> to vector<1xf32>
    %reduce_sum3A_14 = vector.shape_cast %reduce_sum3A_13 : vector<1xf32> to vector<1x1x1xf32>
    %reduce_sum3A_15 = vector.extract %reduce_sum3A_14[0, 0, 0] : f32 from vector<1x1x1xf32>
    %neg3A = arith.constant 0.000000e+00 : f32
    %neg3A_16 = arith.subf %neg3A, %reduce_sum3A_15 : f32
    %swap3A = arith.constant 0 : index
    %swap3A_17 = arith.constant 0 : index
    %swap3A_18 = memref.load %arg1[%swap3A, %swap3A_17] : memref<1x1xf32, #tpu.memory_space<smem>>
    memref.store %neg3A_16, %arg1[%swap3A, %swap3A_17] : memref<1x1xf32, #tpu.memory_space<smem>>
    return
  }
}

</mosaic_0001>

<sc_bundles>
// kernel: kernel.4.cloned.1.call-start
scs
__scs_entry_jumppad:
0x0: {  	(pc) =	sbr.rel $0x88, $3  }
0x1: {  	(tag) =	ssettag $0x0;
	lr =	simm.s32 $0x1  }
0x2: {  	[smem:$0x3FA0] =	sst lr;
	_ =	strace $0xD0000000  }
0x3: {  	_ = 	snop  }
0x4: {  	_ = 	snop  }
0x5: {  	_ = 	snop  }
0x6: {  	_ = 	snop  }
0x7: {  	_ = 	snop  }
__scs_overlays_trampoline_lowered:
0x8: {  	[smem:$0x3FAF] =	sst s0  }
0x9: {  	[smem:$0x3FB0] =	sst s1  }
0xa: {  	[smem:$0x3FB1] =	sst s2  }
0xb: {  	[smem:$0x3FB2] =	sst s3  }
0xc: {  	[smem:$0x3FB3] =	sst s4  }
0xd: {  	[smem:$0x3FB4] =	sst s5  }
0xe: {  	[smem:$0x3FB5] =	sst s6  }
0xf: {  	[smem:$0x3FB6] =	sst s7  }
0x10: {  	[smem:$0x3FB7] =	sst s8  }
0x11: {  	[smem:$0x3FB8] =	sst s9;
	s0 =	simm.s32 @!p0 $0x0  }
0x12: {  	s1 =	sld [smem:$0x3F9E];
	s0 =	simm.s32 @p0 $0x1  }
0x13: {  	[smem:$0x3FB9] =	sst s0;
	s0 =	simm.s32 @!p1 $0x0  }
0x14: {  	s2 =	sld [smem:$0x3F9D];
	s0 =	simm.s32 @p1 $0x1  }
0x15: {  	[smem:$0x3FBA] =	sst s0;
	s0 =	simm.s32 @!p2 $0x0  }
0x16: {  	s3 =	sld [smem:$0x3FDB];
	s0 =	simm.s32 @p2 $0x1  }
0x17: {  	s4 =	simm.s32 $0x1BF5;
	[smem:$0x3FBC] =	sst s0  }
0x18: {  	s0 =	sld [smem:$0x3F9F];
	_ =	swait.ge [sflag:s4], $0x0  }
0x19: {  	s7 =	sld [smem:$0x3FA0]  }
0x1a: {  	s8 =	sadd.s32 $0xFFFFE003, lr  }
0x1b: {  	s9 =	sadd.s32 $0xFFFFFEF7, lr;
	s5 =	simm.s32 $0xFFFFFFFF;
	p2 =	slt.u32 s8, $0xFFFFF086  }
0x1c: {  	p1 =	slt.u32 s9, $0xF7A;
	s5 =	simm.s32 @!p2 $0x0  }
0x1d: {  	s5 =	simm.s32 @p1 $0x1;
	p0 =	seq.s32 s7, s2  }
0x1e: {  	s7 =	smul.u32 @!p0 $0xF7A, s2;
	p2 =	seq.s32 @!p0 s5, $0x0  }
0x1f: {  	s9 =	smul.u32 $0xF7A, s1;
	s8 =	simm.s32 @!p0 $0x1BF5;
	p2 =	por !p2, p0  }
0x20: {  	[sflag:s8] =	ssyncset.s32 @!p0 $0xFFFFF086;
	s6 =	sadd.s32 @!p0 s3, s7;
	s7 =	simm.s32 @!p0 $0x108  }
0x21: {  	s3 =	sadd.s32 s3, s9;
	s6 =	sadd.s32 @!p0 $0x88, s6;
	s7 =	simm.s32 @p2 $0x1082  }
0x22: {  	[simem:s7], [sflag:s8] =	dma.local @!p0 [hbm:s6], $0xF7A  }
0x23: {  	s9 =	sor.u32 $0xD0000000, s2;
	s6 =	simm.s32 $0x108;
	_ =	swait.ge @!p0 [sflag:s8], $0x0  }
0x24: {  	s3 =	sadd.s32 $0x88, s3;
	s6 =	simm.s32 @!p1 $0x1082;
	[sflag:s4] =	ssyncset.s32 $0xFFFFF086  }
0x25: {  	[simem:s6], [sflag:s4] =	dma.local [hbm:s3], $0xF7A  }
0x26: {  	[smem:$0x3FA0] =	sst s1;
	(tag) =	ssettag s2;
	_ =	strace s9  }
0x27: {  	s1 =	sld [smem:$0x3FB0]  }
0x28: {  	s2 =	sld [smem:$0x3FB1]  }
0x29: {  	s4 =	sld [smem:$0x3FB3]  }
0x2a: {  	p0 =	seq.s32 s5, $0x0;
	s5 =	sld [smem:$0x3FB4]  }
0x2b: {  	s6 =	sld [smem:$0x3FB5]  }
0x2c: {  	s7 =	sld [smem:$0x3FB6]  }
0x2d: {  	s3 =	simm.s32 $0x108;
	s8 =	sld [smem:$0x3FB7]  }
0x2e: {  	s3 =	simm.s32 @!p0 $0x1082;
	s9 =	sld [smem:$0x3FB8]  }
0x2f: {  	lr =	sadd.s32 s0, s3;
	s0 =	sld [smem:$0x3FAF]  }
0x30: {  	s3 =	sld [smem:$0x3FB2]  }
0x31: {  	[smem:$0x3FBB] =	sst s10  }
0x32: {  	s10 =	sld [smem:$0x3FB9];
	_ =	sdelay $0x3  }
0x33: {  	p0 =	seq.s32 s10, $0x1;
	s10 =	sld [smem:$0x3FBB];
	_ =	sdelay $0x3  }
0x34: {  	[smem:$0x3FBB] =	sst s10  }
0x35: {  	s10 =	sld [smem:$0x3FBA];
	_ =	sdelay $0x3  }
0x36: {  	p1 =	seq.s32 s10, $0x1;
	s10 =	sld [smem:$0x3FBB];
	_ =	sdelay $0x3  }
0x37: {  	[smem:$0x3FBB] =	sst s10  }
0x38: {  	s10 =	sld [smem:$0x3FBC]  }
0x39: {  	_ = 	snop;
	(pc) =	sbr.ind lr, $3  }
0x3a: {  	_ = 	snop  }
0x3b: {  	_ = 	snop  }
0x3c: {  	p2 =	seq.s32 s10, $0x1;
	s10 =	sld [smem:$0x3FBB]  }
0x3d: {  	_ =	shalt  }
0x3e: {  	_ =	shalt  }
0x3f: {  	_ =	shalt  }
0x40: {  	_ =	shalt  }
0x41: {  	_ =	shalt  }
0x42: {  	_ =	shalt  }
0x43: {  	_ =	shalt  }
0x44: {  	_ =	shalt  }
0x45: {  	_ =	shalt  }
0x46: {  	_ =	shalt  }
0x47: {  	_ =	shalt  }
0x48: {  	_ =	shalt  }
0x49: {  	_ =	shalt  }
0x4a: {  	_ =	shalt  }
0x4b: {  	_ =	shalt  }
0x4c: {  	_ =	shalt  }
0x4d: {  	_ =	shalt  }
0x4e: {  	_ =	shalt  }
0x4f: {  	_ =	shalt  }
0x50: {  	_ =	shalt  }
0x51: {  	_ =	shalt  }
0x52: {  	_ =	shalt  }
0x53: {  	_ =	shalt  }
0x54: {  	_ =	shalt  }
0x55: {  	_ =	shalt  }
0x56: {  	_ =	shalt  }
0x57: {  	_ =	shalt  }
0x58: {  	_ =	shalt  }
0x59: {  	_ =	shalt  }
0x5a: {  	_ =	shalt  }
0x5b: {  	_ =	shalt  }
0x5c: {  	_ =	shalt  }
0x5d: {  	_ =	shalt  }
0x5e: {  	_ =	shalt  }
0x5f: {  	_ =	shalt  }
0x60: {  	_ =	shalt  }
0x61: {  	_ =	shalt  }
0x62: {  	_ =	shalt  }
0x63: {  	_ =	shalt  }
0x64: {  	_ =	shalt  }
0x65: {  	_ =	shalt  }
0x66: {  	_ =	shalt  }
0x67: {  	_ =	shalt  }
0x68: {  	_ =	shalt  }
0x69: {  	_ =	shalt  }
0x6a: {  	_ =	shalt  }
0x6b: {  	_ =	shalt  }
0x6c: {  	_ =	shalt  }
0x6d: {  	_ =	shalt  }
0x6e: {  	_ =	shalt  }
0x6f: {  	_ =	shalt  }
0x70: {  	_ =	shalt  }
0x71: {  	_ =	shalt  }
0x72: {  	_ =	shalt  }
0x73: {  	_ =	shalt  }
0x74: {  	_ =	shalt  }
0x75: {  	_ =	shalt  }
0x76: {  	_ =	shalt  }
0x77: {  	_ =	shalt  }
0x78: {  	_ =	shalt  }
0x79: {  	_ =	shalt  }
0x7a: {  	_ =	shalt  }
0x7b: {  	_ =	shalt  }
0x7c: {  	_ =	shalt  }
0x7d: {  	_ =	shalt  }
0x7e: {  	_ =	shalt  }
0x7f: {  	_ =	shalt  }
0x80: {  	_ =	shalt  }
0x81: {  	_ =	shalt  }
0x82: {  	_ =	shalt  }
0x83: {  	_ =	shalt  }
0x84: {  	_ =	shalt  }
0x85: {  	_ =	shalt  }
0x86: {  	_ =	shalt  }
0x87: {  	_ =	shalt  }
.Lfunc_end0:
.L_simem_size_0:
called_computation_lowered:
.L_overlay_start_0:
0x88: {  	s2 =	sld [smem:$0x3FD9]  }
0x89: {  	s3 =	sld [smem:$0x3FFE];
	_ =	sdelay $0x1  }
0x8a: {  	s1 =	srdreg.scid  }
0x8b: {  	s0 =	sand.u32 $0x1, s1  }
0x8c: {  	s17 =	sshll.u32 s0, $0xA;
	s2 =	sadd.s32 s3, s2  }
0x8d: {  	s2 =	sadd.s32 s2, s17  }
0x8e: {  	[smem:$0x3FC7] =	sst s2  }
0x8f: {  	_ = 	snop  }
0x90: {  	s2 =	sld [smem:$0x3FC9];
	(tm) =	ssettm $0x1  }
0x91: {  	s18 =	sld [smem:$0x3FFB];
	_ =	sdelay $0x3  }
0x92: {  	_ =	strace s18  }
0x93: {  	s3 =	sld [smem:$0x3FFC];
	_ =	sdelay $0x3  }
0x94: {  	_ =	strace s3  }
0x95: {  	s3 =	sld [smem:$0x3FFD];
	_ =	sdelay $0x3  }
0x96: {  	_ =	strace s3  }
0x97: {  	_ =	strace $0x8FFFFFFF  }
0x98: {  	s19 =	sld [smem:$0x3FDB];
	_ =	sdelay $0x1  }
0x99: {  	s4 =	simm.s32 $_scs_section_size  }
0x9a: {  	s5 =	simm.s32 $_size__tile_overlayer_lowered;
	s6 =	simm.s32 $_tile_overlayer_lowered  }
0x9b: {  	s22 =	simm.s32 $0x1BFF;
	s21 =	sshll.u32 s6, $0x1;
	s3 =	sadd.s32 s4, s19  }
0x9c: {  	s7 =	simm.s32 $0x0;
	s20 =	sshll.u32 s5, $0x1;
	s5 =	sadd.s32 s21, s3  }
0x9d: {  	[timem:s7], [sflag:s22] =	dma.local [hbm:s5], s20  }
0x9e: {  	_ =	swait.ge [sflag:s22], s20  }
0x9f: {  	s4 =	ssub.s32 $0x0, s20;
	[sflag:s22] =	ssyncset.done $0x0  }
0xa0: {  	[sflag:s22] =	ssyncadd.s32 s4;
	_ =	sdelay $0x1  }
0xa1: {  	s23 =	simm.s32 $0x1B8B  }
0xa2: {  	_ =	swait.ge [sflag:s23], $0x1  }
0xa3: {  	[sflag:s23] =	ssyncset.done $0x0  }
0xa4: {  	s25 =	simm.s32 $0x1B8E;
	s24 =	sld [smem:$0x3FFE];
	[sflag:s23] =	ssyncadd.s32 $0xFFFFFFFF  }
0xa5: {  	s26 =	simm.s32 $execute0_lowered;
	[smem:$0x3FD2] =	sst s25  }
0xa6: {  	s5 =	sshll.u32 s26, $0x1;
	_ =	strace $0x80000046;
	[dreg:$0x1] =	wrdreg $0xFFFFFFFF  }
0xa7: {  	s28 =	simm.s32 $_size_execute0_lowered;
	s3 =	sadd.s32 s3, s5;
	[dreg:$0x0] =	wrdreg $0x0  }
0xa8: {  	s5 =	sshll.u32 s28, $0x1;
	[dreg:$0x2] =	wrdreg s3  }
0xa9: {  	[dreg:$0x3] =	wrdreg s5  }
0xaa: {  	[dreg:$0x4] =	wrdreg $0xC0  }
0xab: {  	_ =	task [dreg:s7], $0x5FFFF  }
0xac: {  	[dreg:$0x1] =	wrdreg $0xFFFFFFFF  }
0xad: {  	[dreg:$0x0] =	wrdreg $0x60  }
0xae: {  	[dreg:$0x2] =	wrdreg s2  }
0xaf: {  	[dreg:$0x3] =	wrdreg s24  }
0xb0: {  	[dreg:$0x4] =	wrdreg $0x9  }
0xb1: {  	_ =	task.clear_ibuf [dreg:s7], $0x5FFFF;
	_ =	strace $0x90000046  }
0xb2: {  	s29 =	simm.s32 $0x9;
	_ =	strace $0x80000048  }
0xb3: {  	_ =	swait.ge [sflag:s29], $0x1  }
0xb4: {  	[sflag:s29] =	ssyncadd.s32 $0xFFFFFFFF  }
0xb5: {  	_ =	strace $0x90000048  }
0xb6: {  	_ =	sfence  }
0xb7: {  	s30 =	sld [smem:$0x0];
	_ =	sdelay $0x2  }
0xb8: {  	s31 =	sshll.u32 s1, $0xD;
	s1 =	sshrl.u32 s1, $0x2  }
0xb9: {  	s3 =	sand.u32 $0x4000, s31;
	s1 =	sadd.s32 s1, s30  }
0xba: {  	s0 =	sor.u32 s3, s0;
	s1 =	sshll.u32 s1, $0x11  }
0xbb: {  	s0 =	sor.u32 s1, s0  }
0xbc: {  	s0 =	sadd.s32 $0x8F2B, s0  }
0xbd: {  	[sflag:s0] =	ssyncadd.remote.s32 $0x1  }
0xbe: {  	_ =	sfence.sel $0xFFFF  }
0xbf: {  	[dreg:$0x0] =	wrdreg $0xFFFFFFFF;
	(pc) =	sbr.abs _section_cstart, $3  }
0xc0: {  	[dreg:$0x1] =	wrdreg $0xFFFFFFFF  }
0xc1: {  	_ =	task.clear_ibuf [dreg:s7], $0x2FFFF;
	_ =	strace $0x9FFFFFFF  }
0xc2: {  	(tm) =	ssettm $0x7FFFFFFF  }
0xc3: {  	_ =	shalt  }
tec
execute0_lowered:
.L_overlay_start_1:
0x0: {  	(tag) =	ssettag $0x1  }
0x1: {  	s2 =	rddreg [dreg:$0x0]  }
0x2: {  	s4 =	rddreg [dreg:$0x1]  }
0x3: {  	s3 =	simm.s32 $0x0;
	s1 =	stileid.u32;
	s5 =	srdreg.scid  }
0x4: {  	s15 =	simm.s32 $0x8000;
	s16 =	simm.s32 $0xC000;
	s17 =	simm.s32 $0x1  }
0x5: {  	s18 =	simm.s32 $0x10000;
	s19 =	simm.s32 $0x2;
	s20 =	simm.s32 $0x3  }
0x6: {  	s21 =	simm.s32 $0x4;
	s22 =	simm.s32 $0x80;
	s23 =	simm.s32 $0x400  }
0x7: {  	s24 =	simm.s32 $0x14000;
	s25 =	simm.s32 $0x5;
	s26 =	simm.s32 $0x0  }
0x8: {  	v0 =	vlaneseq.u32;
	[smem:$0x7FF] =	sst s3;
	s5 =	sand.u32 $0x1, s5;
	s6 =	sshll.u32 s1, $0x1  }
0x9: {  	s7 =	sshll.u32 s1, $0x8;
	v2 =	vand.u32 $0x7, v0;
	v1 =	vmul.u32 $0x10, v0;
	_ =	strace $0x80000047;
	s8 =	sor.u32 s5, s6  }
0xa: {  	v3 =	vimm.f32 $1.000000000e+00;
	s29 =	sand.u32 $0xC00, s7;
	s5 =	ssub.s32 $0x2, s5;
	v20 =	vmul.u32 $0x10, v2;
	s30 =	sshll.u32 s8, $0x10  }
0xb: {  	v2 =	vimm.f32 $0.0e+00;
	s12 =	sadd.s32 s29, s4;
	s31 =	sshrl.u32 s5, $0x1;
	s11 =	sshll.u32 s8, $0x13;
	v5 =	vor.u32 $0x1, v1;
	v6 =	vor.u32 $0x2, v1  }
0xc: {  	s10 =	sshll.u32 s8, $0x4;
	v7 =	vor.u32 $0x3, v1;
	v8 =	vor.u32 $0x4, v1;
	v9 =	vor.u32 $0x5, v1;
	s4 =	sadd.s32 s2, s30;
	s13 =	ssub.s32 s5, s31  }
0xd: {  	v10 =	vor.u32 $0x6, v1;
	v11 =	vor.u32 $0x7, v1;
	v12 =	vor.u32 $0x8, v1;
	s8 =	sor.u32 $0x10000, s11;
	s9 =	sor.u32 $0x14000, s11;
	s14 =	sand.u32 $0x70, s10  }
0xe: {  	v13 =	vor.u32 $0x9, v1;
	v14 =	vor.u32 $0xA, v1;
	v15 =	vor.u32 $0xB, v1;
	s10 =	sor.u32 $0x18000, s11;
	s11 =	sor.u32 $0x1C000, s11;
	s5 =	sadd.s32 $0x800, s4  }
0xf: {  	v16 =	vor.u32 $0xC, v1;
	v17 =	vor.u32 $0xD, v1;
	v18 =	vor.u32 $0xE, v1;
	s6 =	sadd.s32 $0x1000, s4;
	s7 =	sadd.s32 $0x1800, s4;
	s12 =	sadd.s32 s14, s12  }
0x10: {  	v19 =	vor.u32 $0xF, v1;
	v4 =	vor.u32 $0xFFFFFE80, v20;
	v20 =	vor.u32 $0xFFFFFF80, v20;
	s13 =	smax.u32 s13, $0x1;
	s14 =	simm.s32 $0x4000;
	s12 =	sadd.s32 $0x600, s12  }
.LBB2_1:
0x11: {  	[tilespmem:s3], [sflag:$0x1] =	stream.linear.gather [hbm4b:s4+s3], $0x4000, $0x38;
	[tilespmem:$0x14400] =	vst v63  }
0x12: {  	_ = 	snop  }
0x13: {  	[tilespmem:s14], [sflag:$0x2] =	stream.linear.gather [hbm4b:s5+s3], $0x4000, $0x38;
	[tilespmem:$0x14400] =	vst v63  }
0x14: {  	_ = 	snop  }
0x15: {  	[tilespmem:s15], [sflag:$0x3] =	stream.linear.gather [hbm4b:s6+s3], $0x4000, $0x38;
	[tilespmem:$0x14400] =	vst v63  }
0x16: {  	s28 =	simm.s32 $0x10040  }
0x17: {  	[tilespmem:s16], [sflag:$0x4] =	stream.linear.gather [hbm4b:s7+s3], $0x4000, $0x38;
	[tilespmem:$0x14400] =	vst v63  }
0x18: {  	[tilespmem:s28+$0xFFFFFFC0] =	vst v2  }
0x19: {  	[tilespmem:s28+$0x30] =	vst v2  }
0x1a: {  	[tilespmem:s28+$0x20] =	vst v2  }
0x1b: {  	[tilespmem:s28+$0x10] =	vst v2  }
0x1c: {  	[tilespmem:s28+$0x0] =	vst v2  }
0x1d: {  	[tilespmem:s28+$0xFFFFFFF0] =	vst v2  }
0x1e: {  	s29 =	simm.s32 $0x0;
	[tilespmem:s28+$0xFFFFFFE0] =	vst v2  }
.LBB2_2:
0x1f: {  	s29 =	sadd.s32 $0x8, s29;
	[tilespmem:s28+$0xFFFFFFD0] =	vst v2;
	s28 =	sadd.s32 $0x80, s28  }
0x20: {  	[tilespmem:s28+$0xFFFFFFC0] =	vst v2;
	p0 =	slt.u32 s29, $0x3F8  }
0x21: {  	[tilespmem:s28+$0x30] =	vst v2  }
.Ltmp0:
0x22: {  	[tilespmem:s28+$0x20] =	vst v2;
	(pc) =	sbr.rel @p0 .LBB2_2-.Ltmp0, $4  }
0x23: {  	[tilespmem:s28+$0x10] =	vst v2  }
0x24: {  	[tilespmem:s28+$0x0] =	vst v2  }
0x25: {  	[tilespmem:s28+$0xFFFFFFF0] =	vst v2  }
0x26: {  	[tilespmem:s28+$0xFFFFFFE0] =	vst v2  }
0x27: {  	[tilespmem:s28+$0xFFFFFFD0] =	vst v2;
	s28 =	simm.s32 $0x0  }
.LBB2_4:
0x28: {  	_ =	swait.ge [sflag:s17], $0x4000  }
0x29: {  	[sflag:s17] =	ssyncset.done $0x0  }
0x2a: {  	s29 =	simm.s32 $0x80;
	[sflag:s17] =	ssyncadd.s32 $0xFFFFC000  }
0x2b: {  	v21 =	vld [tilespmem:s29+$0xFFFFFFA0]  }
0x2c: {  	v22 =	vld [tilespmem:s29+$0xFFFFFFB0]  }
0x2d: {  	v23 =	vld [tilespmem:s29+$0xFFFFFFC0]  }
0x2e: {  	v24 =	vld [tilespmem:s29+$0xFFFFFFD0]  }
0x2f: {  	v25 =	vld [tilespmem:s29+$0xFFFFFF80]  }
0x30: {  	v26 =	vld [tilespmem:s29+$0x70]  }
0x31: {  	v27 =	vld [tilespmem:s29+$0x60]  }
0x32: {  	v28 =	vld [tilespmem:s29+$0x50]  }
0x33: {  	v29 =	vld [tilespmem:s29+$0x40]  }
0x34: {  	v30 =	vld [tilespmem:s29+$0x30]  }
0x35: {  	v31 =	vld [tilespmem:s29+$0x20];
	v25 =	vshll.u32 v25, $0x4  }
0x36: {  	v32 =	vld [tilespmem:s29+$0x10];
	v26 =	vshll.u32 v26, $0x4;
	v25 =	vor.u32 v0, v25  }
0x37: {  	v35 =	vld [tilespmem:s29+$0xFFFFFFE0];
	v27 =	vshll.u32 v27, $0x4;
	v26 =	vor.u32 v0, v26  }
0x38: {  	v33 =	vld [tilespmem:s29+$0x0];
	v28 =	vshll.u32 v28, $0x4;
	v27 =	vor.u32 v0, v27  }
0x39: {  	v34 =	vld [tilespmem:s29+$0xFFFFFFF0];
	v30 =	vshll.u32 v30, $0x4;
	v28 =	vor.u32 v0, v28  }
0x3a: {  	v60 =	vld [tilespmem:s29+$0xFFFFFF90];
	v29 =	vshll.u32 v29, $0x4;
	v56 =	vor.u32 v0, v30  }
0x3b: {  	v57 =	vshll.u32 v32, $0x4;
	v29 =	vor.u32 v0, v29;
	[tilespmem:v25+s18+$0x0] =	vst.idx.add.f32.msk $0xffff, v3  }
0x3c: {  	v61 =	vshll.u32 v35, $0x4;
	v30 =	vor.u32 v0, v57;
	[tilespmem:v26+s18+$0x0] =	vst.idx.add.f32.msk $0xffff, v3  }
0x3d: {  	v59 =	vshll.u32 v31, $0x4;
	v24 =	vshll.u32 v24, $0x4;
	v31 =	vor.u32 v0, v61;
	[tilespmem:v27+s18+$0x0] =	vst.idx.add.f32.msk $0xffff, v3  }
0x3e: {  	v22 =	vshll.u32 v22, $0x4;
	v24 =	vor.u32 v0, v24;
	[tilespmem:v28+s18+$0x0] =	vst.idx.add.f32.msk $0xffff, v3  }
0x3f: {  	v21 =	vshll.u32 v21, $0x4;
	v22 =	vor.u32 v0, v22;
	[tilespmem:v56+s18+$0x0] =	vst.idx.add.f32.msk $0xffff, v3  }
0x40: {  	v58 =	vshll.u32 v33, $0x4;
	v63 =	vor.u32 v0, v21;
	[tilespmem:v29+s18+$0x0] =	vst.idx.add.f32.msk $0xffff, v3  }
0x41: {  	v26 =	vor.u32 v0, v58;
	[tilespmem:v30+s18+$0x0] =	vst.idx.add.f32.msk $0xffff, v3  }
0x42: {  	v62 =	vshll.u32 v34, $0x4;
	v27 =	vor.u32 v0, v59;
	[tilespmem:v31+s18+$0x0] =	vst.idx.add.f32.msk $0xffff, v3  }
0x43: {  	v21 =	vshll.u32 v23, $0x4;
	v23 =	vshll.u32 v60, $0x4;
	v25 =	vor.u32 v0, v62;
	[tilespmem:v24+s18+$0x0] =	vst.idx.add.f32.msk $0xffff, v3  }
0x44: {  	[tilespmem:v22+s18+$0x0] =	vst.idx.add.f32.msk $0xffff, v3;
	v22 =	vor.u32 v0, v23  }
0x45: {  	v21 =	vor.u32 v0, v21;
	[tilespmem:v63+s18+$0x0] =	vst.idx.add.f32.msk $0xffff, v3  }
0x46: {  	[tilespmem:v26+s18+$0x0] =	vst.idx.add.f32.msk $0xffff, v3  }
0x47: {  	[tilespmem:v27+s18+$0x0] =	vst.idx.add.f32.msk $0xffff, v3  }
0x48: {  	s30 =	simm.s32 $0x0;
	[tilespmem:v25+s18+$0x0] =	vst.idx.add.f32.msk $0xffff, v3  }
.LBB2_5:
0x49: {  	s30 =	sadd.s32 $0x10, s30;
	[tilespmem:v22+s18+$0x0] =	vst.idx.add.f32.msk $0xffff, v3;
	s29 =	sadd.s32 $0x100, s29  }
0x4a: {  	p0 =	slt.u32 s30, $0x3F0;
	[tilespmem:v21+s18+$0x0] =	vst.idx.add.f32.msk $0xffff, v3  }
0x4b: {  	v22 =	vld [tilespmem:s29+$0xFFFFFFA0]  }
0x4c: {  	v21 =	vld [tilespmem:s29+$0xFFFFFFB0]  }
0x4d: {  	v23 =	vld [tilespmem:s29+$0xFFFFFFC0]  }
0x4e: {  	v24 =	vld [tilespmem:s29+$0xFFFFFFD0]  }
0x4f: {  	v25 =	vld [tilespmem:s29+$0xFFFFFF80]  }
0x50: {  	v26 =	vld [tilespmem:s29+$0x70]  }
0x51: {  	v27 =	vld [tilespmem:s29+$0x60]  }
0x52: {  	v28 =	vld [tilespmem:s29+$0x50]  }
0x53: {  	v29 =	vld [tilespmem:s29+$0x40]  }
0x54: {  	v25 =	vshll.u32 v25, $0x4;
	v30 =	vld [tilespmem:s29+$0x30]  }
0x55: {  	v25 =	vor.u32 v0, v25;
	v31 =	vld [tilespmem:s29+$0x20];
	v26 =	vshll.u32 v26, $0x4  }
0x56: {  	v32 =	vld [tilespmem:s29+$0x10];
	v27 =	vshll.u32 v27, $0x4;
	v26 =	vor.u32 v0, v26  }
0x57: {  	v33 =	vld [tilespmem:s29+$0x0];
	v28 =	vshll.u32 v28, $0x4;
	v27 =	vor.u32 v0, v27  }
0x58: {  	v34 =	vld [tilespmem:s29+$0xFFFFFFF0];
	v29 =	vshll.u32 v29, $0x4;
	v28 =	vor.u32 v0, v28  }
0x59: {  	v35 =	vld [tilespmem:s29+$0xFFFFFFE0];
	v30 =	vshll.u32 v30, $0x4  }
0x5a: {  	[tilespmem:v25+s18+$0x0] =	vst.idx.add.f32.msk $0xffff, v3;
	v25 =	vshll.u32 v31, $0x4;
	v30 =	vor.u32 v0, v30  }
0x5b: {  	v29 =	vor.u32 v0, v29;
	v31 =	vshll.u32 v32, $0x4;
	v25 =	vor.u32 v0, v25;
	[tilespmem:v26+s18+$0x0] =	vst.idx.add.f32.msk $0xffff, v3  }
0x5c: {  	v26 =	vshll.u32 v33, $0x4;
	v31 =	vor.u32 v0, v31;
	[tilespmem:v27+s18+$0x0] =	vst.idx.add.f32.msk $0xffff, v3  }
0x5d: {  	v27 =	vshll.u32 v34, $0x4;
	v26 =	vor.u32 v0, v26;
	[tilespmem:v28+s18+$0x0] =	vst.idx.add.f32.msk $0xffff, v3  }
0x5e: {  	v28 =	vld [tilespmem:s29+$0xFFFFFF90];
	v32 =	vshll.u32 v35, $0x4;
	v27 =	vor.u32 v0, v27  }
0x5f: {  	v24 =	vshll.u32 v24, $0x4;
	v32 =	vor.u32 v0, v32;
	[tilespmem:v30+s18+$0x0] =	vst.idx.add.f32.msk $0xffff, v3  }
0x60: {  	v23 =	vshll.u32 v23, $0x4;
	v24 =	vor.u32 v0, v24;
	[tilespmem:v29+s18+$0x0] =	vst.idx.add.f32.msk $0xffff, v3  }
0x61: {  	v29 =	vshll.u32 v21, $0x4;
	v21 =	vor.u32 v0, v23;
	[tilespmem:v31+s18+$0x0] =	vst.idx.add.f32.msk $0xffff, v3  }
0x62: {  	v22 =	vshll.u32 v22, $0x4;
	v23 =	vor.u32 v0, v29;
	[tilespmem:v26+s18+$0x0] =	vst.idx.add.f32.msk $0xffff, v3  }
0x63: {  	v26 =	vshll.u32 v28, $0x4;
	v28 =	vor.u32 v0, v22;
	[tilespmem:v25+s18+$0x0] =	vst.idx.add.f32.msk $0xffff, v3  }
.Ltmp1:
0x64: {  	v22 =	vor.u32 v0, v26;
	[tilespmem:v32+s18+$0x0] =	vst.idx.add.f32.msk $0xffff, v3;
	(pc) =	sbr.rel @p0 .LBB2_5-.Ltmp1, $4  }
0x65: {  	[tilespmem:v24+s18+$0x0] =	vst.idx.add.f32.msk $0xffff, v3  }
0x66: {  	[tilespmem:v27+s18+$0x0] =	vst.idx.add.f32.msk $0xffff, v3  }
0x67: {  	[tilespmem:v23+s18+$0x0] =	vst.idx.add.f32.msk $0xffff, v3  }
0x68: {  	[tilespmem:v28+s18+$0x0] =	vst.idx.add.f32.msk $0xffff, v3  }
0x69: {  	_ = 	snop  }
0x6a: {  	p0 =	seq.s32 s28, $0x7  }
0x6b: {  	s29 =	sshll.u32 @!p0 s28, $0x10  }
0x6c: {  	s30 =	sadd.s32 @!p0 s29, s8  }
0x6d: {  	[tilespmem:v22+s18+$0x0] =	vst.idx.add.f32.msk $0xffff, v3;
	s30 =	sshrl.u32 @!p0 s30, $0x3  }
0x6e: {  	[tilespmem:v21+s18+$0x0] =	vst.idx.add.f32.msk $0xffff, v3;
	s31 =	simm.s32 @!p0 $0x0;
	s30 =	sadd.s32 @!p0 s2, s30  }
0x6f: {  	[tilespmem:s31], [sflag:$0x1] =	stream.linear.gather @!p0 [hbm4b:s30+s31], $0x4000, $0x38;
	[tilespmem:$0x14400] =	vst v63  }
0x70: {  	_ =	swait.ge [sflag:s19], $0x4000  }
0x71: {  	[sflag:s19] =	ssyncset.done $0x0  }
0x72: {  	s30 =	simm.s32 $0x4080;
	[sflag:s19] =	ssyncadd.s32 $0xFFFFC000  }
0x73: {  	v21 =	vld [tilespmem:s30+$0xFFFFFFA0]  }
0x74: {  	v22 =	vld [tilespmem:s30+$0xFFFFFFB0]  }
0x75: {  	v23 =	vld [tilespmem:s30+$0xFFFFFFC0]  }
0x76: {  	v24 =	vld [tilespmem:s30+$0xFFFFFFD0]  }
0x77: {  	v25 =	vld [tilespmem:s30+$0xFFFFFF80]  }
0x78: {  	v26 =	vld [tilespmem:s30+$0x70]  }
0x79: {  	v27 =	vld [tilespmem:s30+$0x60]  }
0x7a: {  	v28 =	vld [tilespmem:s30+$0x50]  }
0x7b: {  	v29 =	vld [tilespmem:s30+$0x40]  }
0x7c: {  	v30 =	vld [tilespmem:s30+$0x30]  }
0x7d: {  	v31 =	vld [tilespmem:s30+$0x20];
	v25 =	vshll.u32 v25, $0x4  }
0x7e: {  	v32 =	vld [tilespmem:s30+$0x10];
	v26 =	vshll.u32 v26, $0x4;
	v25 =	vor.u32 v0, v25  }
0x7f: {  	v35 =	vld [tilespmem:s30+$0xFFFFFFE0];
	v27 =	vshll.u32 v27, $0x4;
	v26 =	vor.u32 v0, v26  }
0x80: {  	v33 =	vld [tilespmem:s30+$0x0];
	v28 =	vshll.u32 v28, $0x4;
	v27 =	vor.u32 v0, v27  }
0x81: {  	v34 =	vld [tilespmem:s30+$0xFFFFFFF0];
	v30 =	vshll.u32 v30, $0x4;
	v28 =	vor.u32 v0, v28  }
0x82: {  	v60 =	vld [tilespmem:s30+$0xFFFFFF90];
	v29 =	vshll.u32 v29, $0x4;
	v56 =	vor.u32 v0, v30  }
0x83: {  	v57 =	vshll.u32 v32, $0x4;
	v29 =	vor.u32 v0, v29;
	[tilespmem:v25+s18+$0x0] =	vst.idx.add.f32.msk $0xffff, v3  }
0x84: {  	v61 =	vshll.u32 v35, $0x4;
	v30 =	vor.u32 v0, v57;
	[tilespmem:v26+s18+$0x0] =	vst.idx.add.f32.msk $0xffff, v3  }
0x85: {  	v59 =	vshll.u32 v31, $0x4;
	v24 =	vshll.u32 v24, $0x4;
	v31 =	vor.u32 v0, v61;
	[tilespmem:v27+s18+$0x0] =	vst.idx.add.f32.msk $0xffff, v3  }
0x86: {  	v22 =	vshll.u32 v22, $0x4;
	v24 =	vor.u32 v0, v24;
	[tilespmem:v28+s18+$0x0] =	vst.idx.add.f32.msk $0xffff, v3  }
0x87: {  	v21 =	vshll.u32 v21, $0x4;
	v22 =	vor.u32 v0, v22;
	[tilespmem:v56+s18+$0x0] =	vst.idx.add.f32.msk $0xffff, v3  }
0x88: {  	v58 =	vshll.u32 v33, $0x4;
	v63 =	vor.u32 v0, v21;
	[tilespmem:v29+s18+$0x0] =	vst.idx.add.f32.msk $0xffff, v3  }
0x89: {  	v26 =	vor.u32 v0, v58;
	[tilespmem:v30+s18+$0x0] =	vst.idx.add.f32.msk $0xffff, v3  }
0x8a: {  	v62 =	vshll.u32 v34, $0x4;
	v27 =	vor.u32 v0, v59;
	[tilespmem:v31+s18+$0x0] =	vst.idx.add.f32.msk $0xffff, v3  }
0x8b: {  	v21 =	vshll.u32 v23, $0x4;
	v23 =	vshll.u32 v60, $0x4;
	v25 =	vor.u32 v0, v62;
	[tilespmem:v24+s18+$0x0] =	vst.idx.add.f32.msk $0xffff, v3  }
0x8c: {  	[tilespmem:v22+s18+$0x0] =	vst.idx.add.f32.msk $0xffff, v3;
	v22 =	vor.u32 v0, v23  }
0x8d: {  	v21 =	vor.u32 v0, v21;
	[tilespmem:v63+s18+$0x0] =	vst.idx.add.f32.msk $0xffff, v3  }
0x8e: {  	[tilespmem:v26+s18+$0x0] =	vst.idx.add.f32.msk $0xffff, v3  }
0x8f: {  	[tilespmem:v27+s18+$0x0] =	vst.idx.add.f32.msk $0xffff, v3  }
0x90: {  	s31 =	simm.s32 $0x0;
	[tilespmem:v25+s18+$0x0] =	vst.idx.add.f32.msk $0xffff, v3  }
.LBB2_7:
0x91: {  	s31 =	sadd.s32 $0x10, s31;
	[tilespmem:v22+s18+$0x0] =	vst.idx.add.f32.msk $0xffff, v3;
	s30 =	sadd.s32 $0x100, s30  }
0x92: {  	p1 =	slt.u32 s31, $0x3F0;
	[tilespmem:v21+s18+$0x0] =	vst.idx.add.f32.msk $0xffff, v3  }
0x93: {  	v22 =	vld [tilespmem:s30+$0xFFFFFFA0]  }
0x94: {  	v21 =	vld [tilespmem:s30+$0xFFFFFFB0]  }
0x95: {  	v23 =	vld [tilespmem:s30+$0xFFFFFFC0]  }
0x96: {  	v24 =	vld [tilespmem:s30+$0xFFFFFFD0]  }
0x97: {  	v25 =	vld [tilespmem:s30+$0xFFFFFF80]  }
0x98: {  	v26 =	vld [tilespmem:s30+$0x70]  }
0x99: {  	v27 =	vld [tilespmem:s30+$0x60]  }
0x9a: {  	v28 =	vld [tilespmem:s30+$0x50]  }
0x9b: {  	v29 =	vld [tilespmem:s30+$0x40]  }
0x9c: {  	v25 =	vshll.u32 v25, $0x4;
	v30 =	vld [tilespmem:s30+$0x30]  }
0x9d: {  	v25 =	vor.u32 v0, v25;
	v31 =	vld [tilespmem:s30+$0x20];
	v26 =	vshll.u32 v26, $0x4  }
0x9e: {  	v32 =	vld [tilespmem:s30+$0x10];
	v27 =	vshll.u32 v27, $0x4;
	v26 =	vor.u32 v0, v26  }
0x9f: {  	v33 =	vld [tilespmem:s30+$0x0];
	v28 =	vshll.u32 v28, $0x4;
	v27 =	vor.u32 v0, v27  }
0xa0: {  	v34 =	vld [tilespmem:s30+$0xFFFFFFF0];
	v29 =	vshll.u32 v29, $0x4;
	v28 =	vor.u32 v0, v28  }
0xa1: {  	v35 =	vld [tilespmem:s30+$0xFFFFFFE0];
	v30 =	vshll.u32 v30, $0x4  }
0xa2: {  	[tilespmem:v25+s18+$0x0] =	vst.idx.add.f32.msk $0xffff, v3;
	v25 =	vshll.u32 v31, $0x4;
	v30 =	vor.u32 v0, v30  }
0xa3: {  	v29 =	vor.u32 v0, v29;
	v31 =	vshll.u32 v32, $0x4;
	v25 =	vor.u32 v0, v25;
	[tilespmem:v26+s18+$0x0] =	vst.idx.add.f32.msk $0xffff, v3  }
0xa4: {  	v26 =	vshll.u32 v33, $0x4;
	v31 =	vor.u32 v0, v31;
	[tilespmem:v27+s18+$0x0] =	vst.idx.add.f32.msk $0xffff, v3  }
0xa5: {  	v27 =	vshll.u32 v34, $0x4;
	v26 =	vor.u32 v0, v26;
	[tilespmem:v28+s18+$0x0] =	vst.idx.add.f32.msk $0xffff, v3  }
0xa6: {  	v28 =	vld [tilespmem:s30+$0xFFFFFF90];
	v32 =	vshll.u32 v35, $0x4;
	v27 =	vor.u32 v0, v27  }
0xa7: {  	v24 =	vshll.u32 v24, $0x4;
	v32 =	vor.u32 v0, v32;
	[tilespmem:v30+s18+$0x0] =	vst.idx.add.f32.msk $0xffff, v3  }
0xa8: {  	v23 =	vshll.u32 v23, $0x4;
	v24 =	vor.u32 v0, v24;
	[tilespmem:v29+s18+$0x0] =	vst.idx.add.f32.msk $0xffff, v3  }
0xa9: {  	v29 =	vshll.u32 v21, $0x4;
	v21 =	vor.u32 v0, v23;
	[tilespmem:v31+s18+$0x0] =	vst.idx.add.f32.msk $0xffff, v3  }
0xaa: {  	v22 =	vshll.u32 v22, $0x4;
	v23 =	vor.u32 v0, v29;
	[tilespmem:v26+s18+$0x0] =	vst.idx.add.f32.msk $0xffff, v3  }
0xab: {  	v26 =	vshll.u32 v28, $0x4;
	v28 =	vor.u32 v0, v22;
	[tilespmem:v25+s18+$0x0] =	vst.idx.add.f32.msk $0xffff, v3  }
.Ltmp2:
0xac: {  	v22 =	vor.u32 v0, v26;
	[tilespmem:v32+s18+$0x0] =	vst.idx.add.f32.msk $0xffff, v3;
	(pc) =	sbr.rel @p1 .LBB2_7-.Ltmp2, $4  }
0xad: {  	[tilespmem:v24+s18+$0x0] =	vst.idx.add.f32.msk $0xffff, v3  }
0xae: {  	[tilespmem:v27+s18+$0x0] =	vst.idx.add.f32.msk $0xffff, v3  }
0xaf: {  	[tilespmem:v23+s18+$0x0] =	vst.idx.add.f32.msk $0xffff, v3  }
0xb0: {  	[tilespmem:v28+s18+$0x0] =	vst.idx.add.f32.msk $0xffff, v3  }
0xb1: {  	_ =	sdelay $0x2  }
0xb2: {  	s30 =	sadd.s32 @!p0 s29, s9  }
0xb3: {  	[tilespmem:v22+s18+$0x0] =	vst.idx.add.f32.msk $0xffff, v3;
	s30 =	sshrl.u32 @!p0 s30, $0x3  }
0xb4: {  	[tilespmem:v21+s18+$0x0] =	vst.idx.add.f32.msk $0xffff, v3;
	s31 =	simm.s32 @!p0 $0x0;
	s0 =	simm.s32 @!p0 $0x4000;
	s30 =	sadd.s32 @!p0 s2, s30  }
0xb5: {  	[tilespmem:s0], [sflag:$0x2] =	stream.linear.gather @!p0 [hbm4b:s30+s31], $0x4000, $0x38;
	[tilespmem:$0x14400] =	vst v63  }
0xb6: {  	_ =	swait.ge [sflag:s20], $0x4000  }
0xb7: {  	[sflag:s20] =	ssyncset.done $0x0  }
0xb8: {  	s30 =	simm.s32 $0x8080;
	[sflag:s20] =	ssyncadd.s32 $0xFFFFC000  }
0xb9: {  	v21 =	vld [tilespmem:s30+$0xFFFFFFA0]  }
0xba: {  	v22 =	vld [tilespmem:s30+$0xFFFFFFB0]  }
0xbb: {  	v23 =	vld [tilespmem:s30+$0xFFFFFFC0]  }
0xbc: {  	v24 =	vld [tilespmem:s30+$0xFFFFFFD0]  }
0xbd: {  	v25 =	vld [tilespmem:s30+$0xFFFFFF80]  }
0xbe: {  	v26 =	vld [tilespmem:s30+$0x70]  }
0xbf: {  	v27 =	vld [tilespmem:s30+$0x60]  }
0xc0: {  	v28 =	vld [tilespmem:s30+$0x50]  }
0xc1: {  	v29 =	vld [tilespmem:s30+$0x40]  }
0xc2: {  	v30 =	vld [tilespmem:s30+$0x30]  }
0xc3: {  	v31 =	vld [tilespmem:s30+$0x20];
	v25 =	vshll.u32 v25, $0x4  }
0xc4: {  	v32 =	vld [tilespmem:s30+$0x10];
	v26 =	vshll.u32 v26, $0x4;
	v25 =	vor.u32 v0, v25  }
0xc5: {  	v35 =	vld [tilespmem:s30+$0xFFFFFFE0];
	v27 =	vshll.u32 v27, $0x4;
	v26 =	vor.u32 v0, v26  }
0xc6: {  	v33 =	vld [tilespmem:s30+$0x0];
	v28 =	vshll.u32 v28, $0x4;
	v27 =	vor.u32 v0, v27  }
0xc7: {  	v34 =	vld [tilespmem:s30+$0xFFFFFFF0];
	v30 =	vshll.u32 v30, $0x4;
	v28 =	vor.u32 v0, v28  }
0xc8: {  	v60 =	vld [tilespmem:s30+$0xFFFFFF90];
	v29 =	vshll.u32 v29, $0x4;
	v56 =	vor.u32 v0, v30  }
0xc9: {  	v57 =	vshll.u32 v32, $0x4;
	v29 =	vor.u32 v0, v29;
	[tilespmem:v25+s18+$0x0] =	vst.idx.add.f32.msk $0xffff, v3  }
0xca: {  	v61 =	vshll.u32 v35, $0x4;
	v30 =	vor.u32 v0, v57;
	[tilespmem:v26+s18+$0x0] =	vst.idx.add.f32.msk $0xffff, v3  }
0xcb: {  	v59 =	vshll.u32 v31, $0x4;
	v24 =	vshll.u32 v24, $0x4;
	v31 =	vor.u32 v0, v61;
	[tilespmem:v27+s18+$0x0] =	vst.idx.add.f32.msk $0xffff, v3  }
0xcc: {  	v22 =	vshll.u32 v22, $0x4;
	v24 =	vor.u32 v0, v24;
	[tilespmem:v28+s18+$0x0] =	vst.idx.add.f32.msk $0xffff, v3  }
0xcd: {  	v21 =	vshll.u32 v21, $0x4;
	v22 =	vor.u32 v0, v22;
	[tilespmem:v56+s18+$0x0] =	vst.idx.add.f32.msk $0xffff, v3  }
0xce: {  	v58 =	vshll.u32 v33, $0x4;
	v63 =	vor.u32 v0, v21;
	[tilespmem:v29+s18+$0x0] =	vst.idx.add.f32.msk $0xffff, v3  }
0xcf: {  	v26 =	vor.u32 v0, v58;
	[tilespmem:v30+s18+$0x0] =	vst.idx.add.f32.msk $0xffff, v3  }
0xd0: {  	v62 =	vshll.u32 v34, $0x4;
	v27 =	vor.u32 v0, v59;
	[tilespmem:v31+s18+$0x0] =	vst.idx.add.f32.msk $0xffff, v3  }
0xd1: {  	v21 =	vshll.u32 v23, $0x4;
	v23 =	vshll.u32 v60, $0x4;
	v25 =	vor.u32 v0, v62;
	[tilespmem:v24+s18+$0x0] =	vst.idx.add.f32.msk $0xffff, v3  }
0xd2: {  	[tilespmem:v22+s18+$0x0] =	vst.idx.add.f32.msk $0xffff, v3;
	v22 =	vor.u32 v0, v23  }
0xd3: {  	v21 =	vor.u32 v0, v21;
	[tilespmem:v63+s18+$0x0] =	vst.idx.add.f32.msk $0xffff, v3  }
0xd4: {  	[tilespmem:v26+s18+$0x0] =	vst.idx.add.f32.msk $0xffff, v3  }
0xd5: {  	[tilespmem:v27+s18+$0x0] =	vst.idx.add.f32.msk $0xffff, v3  }
0xd6: {  	s31 =	simm.s32 $0x0;
	[tilespmem:v25+s18+$0x0] =	vst.idx.add.f32.msk $0xffff, v3  }
.LBB2_9:
0xd7: {  	s31 =	sadd.s32 $0x10, s31;
	[tilespmem:v22+s18+$0x0] =	vst.idx.add.f32.msk $0xffff, v3;
	s30 =	sadd.s32 $0x100, s30  }
0xd8: {  	p1 =	slt.u32 s31, $0x3F0;
	[tilespmem:v21+s18+$0x0] =	vst.idx.add.f32.msk $0xffff, v3  }
0xd9: {  	v22 =	vld [tilespmem:s30+$0xFFFFFFA0]  }
0xda: {  	v21 =	vld [tilespmem:s30+$0xFFFFFFB0]  }
0xdb: {  	v23 =	vld [tilespmem:s30+$0xFFFFFFC0]  }
0xdc: {  	v24 =	vld [tilespmem:s30+$0xFFFFFFD0]  }
0xdd: {  	v25 =	vld [tilespmem:s30+$0xFFFFFF80]  }
0xde: {  	v26 =	vld [tilespmem:s30+$0x70]  }
0xdf: {  	v27 =	vld [tilespmem:s30+$0x60]  }
0xe0: {  	v28 =	vld [tilespmem:s30+$0x50]  }
0xe1: {  	v29 =	vld [tilespmem:s30+$0x40]  }
0xe2: {  	v25 =	vshll.u32 v25, $0x4;
	v30 =	vld [tilespmem:s30+$0x30]  }
0xe3: {  	v25 =	vor.u32 v0, v25;
	v31 =	vld [tilespmem:s30+$0x20];
	v26 =	vshll.u32 v26, $0x4  }
0xe4: {  	v32 =	vld [tilespmem:s30+$0x10];
	v27 =	vshll.u32 v27, $0x4;
	v26 =	vor.u32 v0, v26  }
0xe5: {  	v33 =	vld [tilespmem:s30+$0x0];
	v28 =	vshll.u32 v28, $0x4;
	v27 =	vor.u32 v0, v27  }
0xe6: {  	v34 =	vld [tilespmem:s30+$0xFFFFFFF0];
	v29 =	vshll.u32 v29, $0x4;
	v28 =	vor.u32 v0, v28  }
0xe7: {  	v35 =	vld [tilespmem:s30+$0xFFFFFFE0];
	v30 =	vshll.u32 v30, $0x4  }
0xe8: {  	[tilespmem:v25+s18+$0x0] =	vst.idx.add.f32.msk $0xffff, v3;
	v25 =	vshll.u32 v31, $0x4;
	v30 =	vor.u32 v0, v30  }
0xe9: {  	v29 =	vor.u32 v0, v29;
	v31 =	vshll.u32 v32, $0x4;
	v25 =	vor.u32 v0, v25;
	[tilespmem:v26+s18+$0x0] =	vst.idx.add.f32.msk $0xffff, v3  }
0xea: {  	v26 =	vshll.u32 v33, $0x4;
	v31 =	vor.u32 v0, v31;
	[tilespmem:v27+s18+$0x0] =	vst.idx.add.f32.msk $0xffff, v3  }
0xeb: {  	v27 =	vshll.u32 v34, $0x4;
	v26 =	vor.u32 v0, v26;
	[tilespmem:v28+s18+$0x0] =	vst.idx.add.f32.msk $0xffff, v3  }
0xec: {  	v28 =	vld [tilespmem:s30+$0xFFFFFF90];
	v32 =	vshll.u32 v35, $0x4;
	v27 =	vor.u32 v0, v27  }
0xed: {  	v24 =	vshll.u32 v24, $0x4;
	v32 =	vor.u32 v0, v32;
	[tilespmem:v30+s18+$0x0] =	vst.idx.add.f32.msk $0xffff, v3  }
0xee: {  	v23 =	vshll.u32 v23, $0x4;
	v24 =	vor.u32 v0, v24;
	[tilespmem:v29+s18+$0x0] =	vst.idx.add.f32.msk $0xffff, v3  }
0xef: {  	v29 =	vshll.u32 v21, $0x4;
	v21 =	vor.u32 v0, v23;
	[tilespmem:v31+s18+$0x0] =	vst.idx.add.f32.msk $0xffff, v3  }
0xf0: {  	v22 =	vshll.u32 v22, $0x4;
	v23 =	vor.u32 v0, v29;
	[tilespmem:v26+s18+$0x0] =	vst.idx.add.f32.msk $0xffff, v3  }
0xf1: {  	v26 =	vshll.u32 v28, $0x4;
	v28 =	vor.u32 v0, v22;
	[tilespmem:v25+s18+$0x0] =	vst.idx.add.f32.msk $0xffff, v3  }
.Ltmp3:
0xf2: {  	v22 =	vor.u32 v0, v26;
	[tilespmem:v32+s18+$0x0] =	vst.idx.add.f32.msk $0xffff, v3;
	(pc) =	sbr.rel @p1 .LBB2_9-.Ltmp3, $4  }
0xf3: {  	[tilespmem:v24+s18+$0x0] =	vst.idx.add.f32.msk $0xffff, v3  }
0xf4: {  	[tilespmem:v27+s18+$0x0] =	vst.idx.add.f32.msk $0xffff, v3  }
0xf5: {  	[tilespmem:v23+s18+$0x0] =	vst.idx.add.f32.msk $0xffff, v3  }
0xf6: {  	[tilespmem:v28+s18+$0x0] =	vst.idx.add.f32.msk $0xffff, v3  }
0xf7: {  	_ =	sdelay $0x2  }
0xf8: {  	s0 =	sadd.s32 @!p0 s29, s10  }
0xf9: {  	[tilespmem:v22+s18+$0x0] =	vst.idx.add.f32.msk $0xffff, v3;
	s0 =	sshrl.u32 @!p0 s0, $0x3  }
0xfa: {  	[tilespmem:v21+s18+$0x0] =	vst.idx.add.f32.msk $0xffff, v3;
	s29 =	simm.s32 @!p0 $0x0;
	s30 =	simm.s32 @!p0 $0x8000;
	s0 =	sadd.s32 @!p0 s2, s0  }
0xfb: {  	[tilespmem:s30], [sflag:$0x3] =	stream.linear.gather @!p0 [hbm4b:s0+s29], $0x4000, $0x38;
	[tilespmem:$0x14400] =	vst v63  }
0xfc: {  	_ =	swait.ge [sflag:s21], $0x4000  }
0xfd: {  	[sflag:s21] =	ssyncset.done $0x0  }
0xfe: {  	s29 =	simm.s32 $0xC080;
	[sflag:s21] =	ssyncadd.s32 $0xFFFFC000  }
0xff: {  	v21 =	vld [tilespmem:s29+$0xFFFFFFA0]  }
0x100: {  	v22 =	vld [tilespmem:s29+$0xFFFFFFB0]  }
0x101: {  	v23 =	vld [tilespmem:s29+$0xFFFFFFC0]  }
0x102: {  	v24 =	vld [tilespmem:s29+$0xFFFFFFD0]  }
0x103: {  	v25 =	vld [tilespmem:s29+$0xFFFFFF80]  }
0x104: {  	v26 =	vld [tilespmem:s29+$0x70]  }
0x105: {  	v27 =	vld [tilespmem:s29+$0x60]  }
0x106: {  	v28 =	vld [tilespmem:s29+$0x50]  }
0x107: {  	v29 =	vld [tilespmem:s29+$0x40]  }
0x108: {  	v30 =	vld [tilespmem:s29+$0x30]  }
0x109: {  	v31 =	vld [tilespmem:s29+$0x20];
	v25 =	vshll.u32 v25, $0x4  }
0x10a: {  	v32 =	vld [tilespmem:s29+$0x10];
	v26 =	vshll.u32 v26, $0x4;
	v25 =	vor.u32 v0, v25  }
0x10b: {  	v35 =	vld [tilespmem:s29+$0xFFFFFFE0];
	v27 =	vshll.u32 v27, $0x4;
	v26 =	vor.u32 v0, v26  }
0x10c: {  	v33 =	vld [tilespmem:s29+$0x0];
	v28 =	vshll.u32 v28, $0x4;
	v27 =	vor.u32 v0, v27  }
0x10d: {  	v34 =	vld [tilespmem:s29+$0xFFFFFFF0];
	v30 =	vshll.u32 v30, $0x4;
	v28 =	vor.u32 v0, v28  }
0x10e: {  	v60 =	vld [tilespmem:s29+$0xFFFFFF90];
	v29 =	vshll.u32 v29, $0x4;
	v56 =	vor.u32 v0, v30  }
0x10f: {  	v57 =	vshll.u32 v32, $0x4;
	v29 =	vor.u32 v0, v29;
	[tilespmem:v25+s18+$0x0] =	vst.idx.add.f32.msk $0xffff, v3  }
0x110: {  	v61 =	vshll.u32 v35, $0x4;
	v30 =	vor.u32 v0, v57;
	[tilespmem:v26+s18+$0x0] =	vst.idx.add.f32.msk $0xffff, v3  }
0x111: {  	v59 =	vshll.u32 v31, $0x4;
	v24 =	vshll.u32 v24, $0x4;
	v31 =	vor.u32 v0, v61;
	[tilespmem:v27+s18+$0x0] =	vst.idx.add.f32.msk $0xffff, v3  }
0x112: {  	v22 =	vshll.u32 v22, $0x4;
	v24 =	vor.u32 v0, v24;
	[tilespmem:v28+s18+$0x0] =	vst.idx.add.f32.msk $0xffff, v3  }
0x113: {  	v21 =	vshll.u32 v21, $0x4;
	v22 =	vor.u32 v0, v22;
	[tilespmem:v56+s18+$0x0] =	vst.idx.add.f32.msk $0xffff, v3  }
0x114: {  	v58 =	vshll.u32 v33, $0x4;
	v63 =	vor.u32 v0, v21;
	[tilespmem:v29+s18+$0x0] =	vst.idx.add.f32.msk $0xffff, v3  }
0x115: {  	v26 =	vor.u32 v0, v58;
	[tilespmem:v30+s18+$0x0] =	vst.idx.add.f32.msk $0xffff, v3  }
0x116: {  	v62 =	vshll.u32 v34, $0x4;
	v27 =	vor.u32 v0, v59;
	[tilespmem:v31+s18+$0x0] =	vst.idx.add.f32.msk $0xffff, v3  }
0x117: {  	v21 =	vshll.u32 v23, $0x4;
	v23 =	vshll.u32 v60, $0x4;
	v25 =	vor.u32 v0, v62;
	[tilespmem:v24+s18+$0x0] =	vst.idx.add.f32.msk $0xffff, v3  }
0x118: {  	[tilespmem:v22+s18+$0x0] =	vst.idx.add.f32.msk $0xffff, v3;
	v22 =	vor.u32 v0, v23  }
0x119: {  	v21 =	vor.u32 v0, v21;
	[tilespmem:v63+s18+$0x0] =	vst.idx.add.f32.msk $0xffff, v3  }
0x11a: {  	[tilespmem:v26+s18+$0x0] =	vst.idx.add.f32.msk $0xffff, v3  }
0x11b: {  	[tilespmem:v27+s18+$0x0] =	vst.idx.add.f32.msk $0xffff, v3  }
0x11c: {  	s30 =	simm.s32 $0x0;
	[tilespmem:v25+s18+$0x0] =	vst.idx.add.f32.msk $0xffff, v3  }
.LBB2_11:
0x11d: {  	s30 =	sadd.s32 $0x10, s30;
	[tilespmem:v22+s18+$0x0] =	vst.idx.add.f32.msk $0xffff, v3;
	s29 =	sadd.s32 $0x100, s29  }
0x11e: {  	p1 =	slt.u32 s30, $0x3F0;
	[tilespmem:v21+s18+$0x0] =	vst.idx.add.f32.msk $0xffff, v3  }
0x11f: {  	v22 =	vld [tilespmem:s29+$0xFFFFFFA0]  }
0x120: {  	v21 =	vld [tilespmem:s29+$0xFFFFFFB0]  }
0x121: {  	v23 =	vld [tilespmem:s29+$0xFFFFFFC0]  }
0x122: {  	v24 =	vld [tilespmem:s29+$0xFFFFFFD0]  }
0x123: {  	v25 =	vld [tilespmem:s29+$0xFFFFFF80]  }
0x124: {  	v26 =	vld [tilespmem:s29+$0x70]  }
0x125: {  	v27 =	vld [tilespmem:s29+$0x60]  }
0x126: {  	v28 =	vld [tilespmem:s29+$0x50]  }
0x127: {  	v29 =	vld [tilespmem:s29+$0x40]  }
0x128: {  	v25 =	vshll.u32 v25, $0x4;
	v30 =	vld [tilespmem:s29+$0x30]  }
0x129: {  	v25 =	vor.u32 v0, v25;
	v31 =	vld [tilespmem:s29+$0x20];
	v26 =	vshll.u32 v26, $0x4  }
0x12a: {  	v32 =	vld [tilespmem:s29+$0x10];
	v27 =	vshll.u32 v27, $0x4;
	v26 =	vor.u32 v0, v26  }
0x12b: {  	v33 =	vld [tilespmem:s29+$0x0];
	v28 =	vshll.u32 v28, $0x4;
	v27 =	vor.u32 v0, v27  }
0x12c: {  	v34 =	vld [tilespmem:s29+$0xFFFFFFF0];
	v29 =	vshll.u32 v29, $0x4;
	v28 =	vor.u32 v0, v28  }
0x12d: {  	v35 =	vld [tilespmem:s29+$0xFFFFFFE0];
	v30 =	vshll.u32 v30, $0x4  }
0x12e: {  	[tilespmem:v25+s18+$0x0] =	vst.idx.add.f32.msk $0xffff, v3;
	v25 =	vshll.u32 v31, $0x4;
	v30 =	vor.u32 v0, v30  }
0x12f: {  	v29 =	vor.u32 v0, v29;
	v31 =	vshll.u32 v32, $0x4;
	v25 =	vor.u32 v0, v25;
	[tilespmem:v26+s18+$0x0] =	vst.idx.add.f32.msk $0xffff, v3  }
0x130: {  	v26 =	vshll.u32 v33, $0x4;
	v31 =	vor.u32 v0, v31;
	[tilespmem:v27+s18+$0x0] =	vst.idx.add.f32.msk $0xffff, v3  }
0x131: {  	v27 =	vshll.u32 v34, $0x4;
	v26 =	vor.u32 v0, v26;
	[tilespmem:v28+s18+$0x0] =	vst.idx.add.f32.msk $0xffff, v3  }
0x132: {  	v28 =	vld [tilespmem:s29+$0xFFFFFF90];
	v32 =	vshll.u32 v35, $0x4;
	v27 =	vor.u32 v0, v27  }
0x133: {  	v24 =	vshll.u32 v24, $0x4;
	v32 =	vor.u32 v0, v32;
	[tilespmem:v30+s18+$0x0] =	vst.idx.add.f32.msk $0xffff, v3  }
0x134: {  	v23 =	vshll.u32 v23, $0x4;
	v24 =	vor.u32 v0, v24;
	[tilespmem:v29+s18+$0x0] =	vst.idx.add.f32.msk $0xffff, v3  }
0x135: {  	v29 =	vshll.u32 v21, $0x4;
	v21 =	vor.u32 v0, v23;
	[tilespmem:v31+s18+$0x0] =	vst.idx.add.f32.msk $0xffff, v3  }
0x136: {  	v22 =	vshll.u32 v22, $0x4;
	v23 =	vor.u32 v0, v29;
	[tilespmem:v26+s18+$0x0] =	vst.idx.add.f32.msk $0xffff, v3  }
0x137: {  	v26 =	vshll.u32 v28, $0x4;
	v28 =	vor.u32 v0, v22;
	[tilespmem:v25+s18+$0x0] =	vst.idx.add.f32.msk $0xffff, v3  }
.Ltmp4:
0x138: {  	v22 =	vor.u32 v0, v26;
	[tilespmem:v32+s18+$0x0] =	vst.idx.add.f32.msk $0xffff, v3;
	(pc) =	sbr.rel @p1 .LBB2_11-.Ltmp4, $4  }
0x139: {  	[tilespmem:v24+s18+$0x0] =	vst.idx.add.f32.msk $0xffff, v3  }
0x13a: {  	[tilespmem:v27+s18+$0x0] =	vst.idx.add.f32.msk $0xffff, v3  }
0x13b: {  	[tilespmem:v23+s18+$0x0] =	vst.idx.add.f32.msk $0xffff, v3  }
0x13c: {  	[tilespmem:v28+s18+$0x0] =	vst.idx.add.f32.msk $0xffff, v3  }
0x13d: {  	_ = 	snop  }
.Ltmp5:
0x13e: {  	_ = 	snop;
	(pc) =	sbr.rel @p0 .LBB2_13-.Ltmp5, $3  }
0x13f: {  	_ =	sdelay $0x1  }
0x140: {  	[tilespmem:v22+s18+$0x0] =	vst.idx.add.f32.msk $0xffff, v3  }
0x141: {  	[tilespmem:v21+s18+$0x0] =	vst.idx.add.f32.msk $0xffff, v3  }
.Ltmp6:
0x142: {  	s0 =	sshll.u32 s28, $0x10;
	(pc) =	sbr.rel .LBB2_4-.Ltmp6, $4  }
0x143: {  	s0 =	sadd.s32 s0, s11  }
0x144: {  	s0 =	sshrl.u32 s0, $0x3  }
0x145: {  	s28 =	sadd.s32 $0x1, s28;
	s0 =	sadd.s32 s2, s0  }
0x146: {  	[tilespmem:s16], [sflag:$0x4] =	stream.linear.gather [hbm4b:s0+s3], $0x4000, $0x38;
	[tilespmem:$0x14400] =	vst v63  }
.LBB2_13:
0x147: {  	s29 =	simm.s32 $0x100  }
0x148: {  	s0 =	simm.s32 $0x0;
	v21 =	vor.u32 s29, v5  }
0x149: {  	v23 =	vor.u32 s0, v5  }
0x14a: {  	v25 =	vor.u32 s0, v6  }
0x14b: {  	v26 =	vor.u32 s29, v6  }
0x14c: {  	v27 =	vor.u32 s0, v7  }
0x14d: {  	v28 =	vor.u32 s29, v7;
	v21 =	vld.idx.msk [tilespmem:v21+s18+$0x0], $0xffff  }
0x14e: {  	v29 =	vor.u32 s0, v8;
	v23 =	vld.idx.msk [tilespmem:v23+s18+$0x0], $0xffff  }
0x14f: {  	v30 =	vor.u32 s29, v8;
	v25 =	vld.idx.msk [tilespmem:v25+s18+$0x0], $0xffff  }
0x150: {  	v31 =	vor.u32 s0, v9;
	v26 =	vld.idx.msk [tilespmem:v26+s18+$0x0], $0xffff  }
0x151: {  	v32 =	vor.u32 s29, v9;
	v27 =	vld.idx.msk [tilespmem:v27+s18+$0x0], $0xffff  }
0x152: {  	v33 =	vor.u32 s0, v10;
	v28 =	vld.idx.msk [tilespmem:v28+s18+$0x0], $0xffff  }
0x153: {  	v34 =	vor.u32 s29, v10;
	v29 =	vld.idx.msk [tilespmem:v29+s18+$0x0], $0xffff  }
0x154: {  	v35 =	vor.u32 s0, v11;
	v30 =	vld.idx.msk [tilespmem:v30+s18+$0x0], $0xffff  }
0x155: {  	v36 =	vor.u32 s29, v11;
	v31 =	vld.idx.msk [tilespmem:v31+s18+$0x0], $0xffff  }
0x156: {  	v37 =	vor.u32 s0, v12;
	v32 =	vld.idx.msk [tilespmem:v32+s18+$0x0], $0xffff  }
0x157: {  	v38 =	vor.u32 s29, v12;
	v33 =	vld.idx.msk [tilespmem:v33+s18+$0x0], $0xffff  }
0x158: {  	v39 =	vor.u32 s0, v13;
	v34 =	vld.idx.msk [tilespmem:v34+s18+$0x0], $0xffff  }
0x159: {  	v40 =	vor.u32 s29, v13;
	v35 =	vld.idx.msk [tilespmem:v35+s18+$0x0], $0xffff  }
0x15a: {  	v41 =	vor.u32 s0, v14;
	v36 =	vld.idx.msk [tilespmem:v36+s18+$0x0], $0xffff  }
0x15b: {  	v42 =	vor.u32 s29, v14;
	v37 =	vld.idx.msk [tilespmem:v37+s18+$0x0], $0xffff  }
0x15c: {  	v22 =	vor.u32 s0, v1;
	v43 =	vor.u32 s0, v15;
	v38 =	vld.idx.msk [tilespmem:v38+s18+$0x0], $0xffff  }
0x15d: {  	v24 =	vor.u32 s29, v1;
	v22 =	vand.u32 v4, v22;
	v39 =	vld.idx.msk [tilespmem:v39+s18+$0x0], $0xffff  }
0x15e: {  	v24 =	vand.u32 v20, v24;
	v40 =	vld.idx.msk [tilespmem:v40+s18+$0x0], $0xffff  }
0x15f: {  	v44 =	vor.u32 s29, v15;
	v41 =	vld.idx.msk [tilespmem:v41+s18+$0x0], $0xffff  }
0x160: {  	v45 =	vor.u32 s0, v16;
	v42 =	vld.idx.msk [tilespmem:v42+s18+$0x0], $0xffff  }
0x161: {  	v46 =	vor.u32 s29, v16;
	v43 =	vld.idx.msk [tilespmem:v43+s18+$0x0], $0xffff  }
0x162: {  	v49 =	vor.u32 s0, v18;
	v22 =	vld.idx.msk [tilespmem:v22+s18+$0x0], $0xffff  }
0x163: {  	v50 =	vor.u32 s29, v18;
	v24 =	vld.idx.msk [tilespmem:v24+s18+$0x0], $0xffff  }
0x164: {  	v51 =	vor.u32 s0, v19;
	v44 =	vld.idx.msk [tilespmem:v44+s18+$0x0], $0xffff  }
0x165: {  	v48 =	vor.u32 s29, v17;
	v52 =	vor.u32 s29, v19;
	s29 =	simm.s32 $0x300;
	v45 =	vld.idx.msk [tilespmem:v45+s18+$0x0], $0xffff  }
0x166: {  	v57 =	vor.u32 s29, v7;
	v46 =	vld.idx.msk [tilespmem:v46+s18+$0x0], $0xffff  }
0x167: {  	v47 =	vor.u32 s0, v17;
	v49 =	vld.idx.msk [tilespmem:v49+s18+$0x0], $0xffff  }
0x168: {  	s30 =	simm.s32 $0x200;
	v50 =	vld.idx.msk [tilespmem:v50+s18+$0x0], $0xffff;
	v22 =	vadd.f32 v23, v22;
	v21 =	vadd.f32 v21, v24  }
0x169: {  	v56 =	vor.u32 s30, v5;
	v51 =	vld.idx.msk [tilespmem:v51+s18+$0x0], $0xffff;
	v24 =	vor.u32 s29, v5  }
0x16a: {  	v52 =	vld.idx.msk [tilespmem:v52+s18+$0x0], $0xffff;
	v22 =	vadd.f32 v25, v22;
	v25 =	vor.u32 s30, v1;
	v21 =	vadd.f32 v26, v21  }
0x16b: {  	v62 =	vld.idx.msk [tilespmem:v57+s18+$0x0], $0xffff;
	v26 =	vor.u32 s29, v1;
	v25 =	vand.u32 v4, v25  }
0x16c: {  	v23 =	vld.idx.msk [tilespmem:v47+s18+$0x0], $0xffff;
	v26 =	vand.u32 v20, v26;
	v22 =	vadd.f32 v27, v22;
	v21 =	vadd.f32 v28, v21  }
0x16d: {  	v47 =	vld.idx.msk [tilespmem:v48+s18+$0x0], $0xffff;
	v27 =	vor.u32 s30, v6  }
0x16e: {  	v28 =	vor.u32 s29, v6;
	v24 =	vld.idx.msk [tilespmem:v24+s18+$0x0], $0xffff;
	v22 =	vadd.f32 v29, v22;
	v21 =	vadd.f32 v30, v21  }
0x16f: {  	v29 =	vld.idx.msk [tilespmem:v56+s18+$0x0], $0xffff;
	v30 =	vor.u32 s30, v7  }
0x170: {  	v58 =	vor.u32 s29, v8;
	v25 =	vld.idx.msk [tilespmem:v25+s18+$0x0], $0xffff;
	v22 =	vadd.f32 v31, v22;
	v21 =	vadd.f32 v32, v21  }
0x171: {  	v31 =	vor.u32 s30, v8;
	v26 =	vld.idx.msk [tilespmem:v26+s18+$0x0], $0xffff  }
0x172: {  	v53 =	vor.u32 s29, v12;
	v27 =	vld.idx.msk [tilespmem:v27+s18+$0x0], $0xffff;
	v22 =	vadd.f32 v33, v22;
	v21 =	vadd.f32 v34, v21  }
0x173: {  	v59 =	vor.u32 s30, v9;
	v28 =	vld.idx.msk [tilespmem:v28+s18+$0x0], $0xffff  }
0x174: {  	v60 =	vor.u32 s29, v9;
	v30 =	vld.idx.msk [tilespmem:v30+s18+$0x0], $0xffff;
	v22 =	vadd.f32 v35, v22;
	v21 =	vadd.f32 v36, v21  }
0x175: {  	v61 =	vor.u32 s30, v10;
	v32 =	vld.idx.msk [tilespmem:v58+s18+$0x0], $0xffff;
	v25 =	vadd.f32 v29, v25  }
0x176: {  	v29 =	vor.u32 s29, v10;
	v31 =	vld.idx.msk [tilespmem:v31+s18+$0x0], $0xffff;
	v22 =	vadd.f32 v37, v22;
	v21 =	vadd.f32 v38, v21  }
0x177: {  	v63 =	vor.u32 s30, v11;
	v58 =	vld.idx.msk [tilespmem:v53+s18+$0x0], $0xffff;
	v24 =	vadd.f32 v24, v26;
	v25 =	vadd.f32 v27, v25  }
0x178: {  	v26 =	vor.u32 s29, v11;
	v27 =	vld.idx.msk [tilespmem:v59+s18+$0x0], $0xffff;
	v22 =	vadd.f32 v39, v22;
	v21 =	vadd.f32 v40, v21  }
0x179: {  	v48 =	vor.u32 s30, v12;
	v34 =	vld.idx.msk [tilespmem:v60+s18+$0x0], $0xffff;
	v24 =	vadd.f32 v28, v24;
	v25 =	vadd.f32 v30, v25  }
0x17a: {  	v54 =	vor.u32 s29, v13;
	v28 =	vld.idx.msk [tilespmem:v61+s18+$0x0], $0xffff;
	v22 =	vadd.f32 v41, v22;
	v21 =	vadd.f32 v42, v21  }
0x17b: {  	v30 =	vor.u32 s30, v13;
	v24 =	vadd.f32 v62, v24;
	v29 =	vld.idx.msk [tilespmem:v29+s18+$0x0], $0xffff;
	v25 =	vadd.f32 v31, v25  }
0x17c: {  	v55 =	vor.u32 s30, v14;
	v31 =	vld.idx.msk [tilespmem:v63+s18+$0x0], $0xffff;
	v22 =	vadd.f32 v43, v22;
	v21 =	vadd.f32 v44, v21  }
0x17d: {  	v57 =	vor.u32 s30, v15;
	v26 =	vld.idx.msk [tilespmem:v26+s18+$0x0], $0xffff;
	v24 =	vadd.f32 v32, v24;
	v25 =	vadd.f32 v27, v25  }
0x17e: {  	v60 =	vor.u32 s30, v16;
	v27 =	vld.idx.msk [tilespmem:v48+s18+$0x0], $0xffff;
	v22 =	vadd.f32 v45, v22;
	v21 =	vadd.f32 v46, v21  }
0x17f: {  	v56 =	vor.u32 s29, v14;
	v35 =	vld.idx.msk [tilespmem:v54+s18+$0x0], $0xffff;
	v24 =	vadd.f32 v34, v24;
	v25 =	vadd.f32 v28, v25  }
0x180: {  	v59 =	vor.u32 s29, v15;
	v30 =	vld.idx.msk [tilespmem:v30+s18+$0x0], $0xffff;
	v22 =	vadd.f32 v23, v22;
	v21 =	vadd.f32 v47, v21  }
0x181: {  	v36 =	vld.idx.msk [tilespmem:v55+s18+$0x0], $0xffff;
	v61 =	vor.u32 s29, v16;
	v23 =	vadd.f32 v29, v24;
	v24 =	vadd.f32 v31, v25  }
0x182: {  	v62 =	vor.u32 s30, v17;
	v28 =	vld.idx.msk [tilespmem:v57+s18+$0x0], $0xffff;
	v22 =	vadd.f32 v49, v22;
	v21 =	vadd.f32 v50, v21  }
0x183: {  	v29 =	vld.idx.msk [tilespmem:v60+s18+$0x0], $0xffff;
	v26 =	vadd.f32 v26, v23;
	v23 =	vor.u32 s29, v17;
	v27 =	vadd.f32 v27, v24  }
0x184: {  	v32 =	vor.u32 s30, v18;
	v25 =	vld.idx.msk [tilespmem:v56+s18+$0x0], $0xffff;
	v31 =	vadd.f32 v51, v22;
	v63 =	vadd.f32 v52, v21  }
0x185: {  	s28 =	simm.s32 $0x14010;
	v24 =	vld.idx.msk [tilespmem:v59+s18+$0x0], $0xffff;
	v33 =	vadd.f32 v58, v26;
	v22 =	vor.u32 s29, v18;
	v30 =	vadd.f32 v30, v27  }
0x186: {  	v26 =	vld.idx.msk [tilespmem:v61+s18+$0x0], $0xffff;
	[tilespmem:s28+$0xFFFFFFF0] =	vst v31;
	v31 =	vor.u32 s30, v19  }
0x187: {  	v21 =	vor.u32 s29, v19;
	s29 =	simm.s32 $0x2;
	[tilespmem:s28+$0x0] =	vst v63;
	v27 =	vadd.f32 v35, v33;
	s30 =	simm.s32 $0x500;
	v33 =	vadd.f32 v36, v30;
	v30 =	vld.idx.msk [tilespmem:v62+s18+$0x0], $0xffff  }
.LBB2_14:
0x188: {  	s31 =	sadd.s32 $0xFFFFFF00, s30;
	v34 =	vor.u32 s30, v1;
	v35 =	vor.u32 s30, v5;
	v36 =	vor.u32 s30, v6;
	s29 =	sadd.s32 $0x2, s29;
	v37 =	vld.idx.msk [tilespmem:v23+s18+$0x0], $0xffff  }
0x189: {  	v23 =	vor.u32 s31, v1;
	v38 =	vor.u32 s31, v5;
	p0 =	slt.u32 s29, $0x3E;
	v28 =	vadd.f32 v28, v33;
	v32 =	vld.idx.msk [tilespmem:v32+s18+$0x0], $0xffff  }
0x18a: {  	v33 =	vand.u32 v20, v34;
	v34 =	vor.u32 s30, v7;
	v23 =	vand.u32 v4, v23;
	v39 =	vld.idx.msk [tilespmem:v22+s18+$0x0], $0xffff  }
0x18b: {  	v40 =	vor.u32 s30, v8;
	v41 =	vor.u32 s30, v9;
	v22 =	vadd.f32 v29, v28;
	v28 =	vld.idx.msk [tilespmem:v31+s18+$0x0], $0xffff  }
0x18c: {  	v42 =	vor.u32 s30, v11;
	v29 =	vor.u32 s31, v6;
	v31 =	vor.u32 s30, v10;
	v43 =	vld.idx.msk [tilespmem:v21+s18+$0x0], $0xffff  }
0x18d: {  	v44 =	vor.u32 s30, v12;
	v45 =	vor.u32 s30, v13;
	v35 =	vld.idx.msk [tilespmem:v35+s18+$0x0], $0xffff;
	v21 =	vadd.f32 v30, v22  }
0x18e: {  	v46 =	vor.u32 s30, v14;
	v47 =	vor.u32 s30, v15;
	v30 =	vld.idx.msk [tilespmem:v38+s18+$0x0], $0xffff;
	v38 =	vor.u32 s31, v7  }
0x18f: {  	v49 =	vor.u32 s30, v16;
	v25 =	vadd.f32 v25, v27;
	v48 =	vld.idx.msk [tilespmem:v23+s18+$0x0], $0xffff;
	v32 =	vadd.f32 v32, v21  }
0x190: {  	v27 =	vor.u32 s31, v8;
	v22 =	vor.u32 s30, v18;
	v23 =	vor.u32 s30, v17;
	v33 =	vld.idx.msk [tilespmem:v33+s18+$0x0], $0xffff  }
0x191: {  	v24 =	vadd.f32 v24, v25;
	v21 =	vor.u32 s30, v19;
	v29 =	vld.idx.msk [tilespmem:v29+s18+$0x0], $0xffff;
	v28 =	vadd.f32 v28, v32  }
0x192: {  	s28 =	sadd.s32 $0x20, s28;
	v25 =	vor.u32 s31, v9;
	v32 =	vld.idx.msk [tilespmem:v36+s18+$0x0], $0xffff  }
0x193: {  	v24 =	vadd.f32 v26, v24;
	v36 =	vld.idx.msk [tilespmem:v38+s18+$0x0], $0xffff;
	[tilespmem:s28+$0xFFFFFFF0] =	vst v28  }
0x194: {  	v26 =	vor.u32 s31, v10;
	v28 =	vld.idx.msk [tilespmem:v34+s18+$0x0], $0xffff  }
0x195: {  	v24 =	vadd.f32 v37, v24;
	v30 =	vadd.f32 v30, v48;
	v27 =	vld.idx.msk [tilespmem:v27+s18+$0x0], $0xffff  }
0x196: {  	v34 =	vor.u32 s31, v11;
	v33 =	vadd.f32 v35, v33;
	v35 =	vld.idx.msk [tilespmem:v40+s18+$0x0], $0xffff  }
0x197: {  	v24 =	vadd.f32 v39, v24;
	v29 =	vadd.f32 v29, v30;
	v25 =	vld.idx.msk [tilespmem:v25+s18+$0x0], $0xffff  }
0x198: {  	v30 =	vor.u32 s31, v12;
	v32 =	vadd.f32 v32, v33;
	v33 =	vld.idx.msk [tilespmem:v41+s18+$0x0], $0xffff  }
0x199: {  	v24 =	vadd.f32 v43, v24;
	v29 =	vadd.f32 v36, v29;
	v26 =	vld.idx.msk [tilespmem:v26+s18+$0x0], $0xffff  }
0x19a: {  	v36 =	vor.u32 s31, v13;
	v28 =	vadd.f32 v28, v32;
	v31 =	vld.idx.msk [tilespmem:v31+s18+$0x0], $0xffff  }
0x19b: {  	v27 =	vadd.f32 v27, v29;
	v29 =	vld.idx.msk [tilespmem:v34+s18+$0x0], $0xffff;
	[tilespmem:s28+$0x0] =	vst v24  }
0x19c: {  	v24 =	vor.u32 s31, v14;
	v28 =	vadd.f32 v35, v28;
	v32 =	vld.idx.msk [tilespmem:v42+s18+$0x0], $0xffff  }
0x19d: {  	v25 =	vadd.f32 v25, v27;
	v27 =	vld.idx.msk [tilespmem:v30+s18+$0x0], $0xffff  }
0x19e: {  	v30 =	vor.u32 s31, v15;
	v28 =	vadd.f32 v33, v28;
	v33 =	vld.idx.msk [tilespmem:v44+s18+$0x0], $0xffff  }
0x19f: {  	v25 =	vadd.f32 v26, v25;
	v26 =	vld.idx.msk [tilespmem:v36+s18+$0x0], $0xffff  }
0x1a0: {  	v34 =	vor.u32 s31, v16;
	v28 =	vadd.f32 v31, v28;
	v35 =	vld.idx.msk [tilespmem:v45+s18+$0x0], $0xffff  }
0x1a1: {  	v29 =	vadd.f32 v29, v25;
	v36 =	vld.idx.msk [tilespmem:v24+s18+$0x0], $0xffff  }
0x1a2: {  	v37 =	vor.u32 s31, v17;
	v24 =	vadd.f32 v32, v28;
	v25 =	vld.idx.msk [tilespmem:v46+s18+$0x0], $0xffff  }
.Ltmp7:
0x1a3: {  	v27 =	vadd.f32 v27, v29;
	v28 =	vld.idx.msk [tilespmem:v30+s18+$0x0], $0xffff;
	(pc) =	sbr.rel @p0 .LBB2_14-.Ltmp7, $4  }
0x1a4: {  	v32 =	vor.u32 s31, v18;
	v30 =	vadd.f32 v33, v24;
	v24 =	vld.idx.msk [tilespmem:v47+s18+$0x0], $0xffff  }
0x1a5: {  	v33 =	vadd.f32 v26, v27;
	v29 =	vld.idx.msk [tilespmem:v34+s18+$0x0], $0xffff  }
0x1a6: {  	v31 =	vor.u32 s31, v19;
	v27 =	vadd.f32 v35, v30;
	v26 =	vld.idx.msk [tilespmem:v49+s18+$0x0], $0xffff  }
0x1a7: {  	s30 =	sadd.s32 $0x200, s30;
	v33 =	vadd.f32 v36, v33;
	v30 =	vld.idx.msk [tilespmem:v37+s18+$0x0], $0xffff  }
0x1a8: {  	_ =	sdelay $0x2  }
0x1a9: {  	v25 =	vadd.f32 v25, v27  }
0x1aa: {  	v23 =	vld.idx.msk [tilespmem:v23+s18+$0x0], $0xffff;
	v59 =	vadd.f32 v28, v33  }
0x1ab: {  	v60 =	vld.idx.msk [tilespmem:v32+s18+$0x0], $0xffff;
	v24 =	vadd.f32 v24, v25  }
0x1ac: {  	v22 =	vld.idx.msk [tilespmem:v22+s18+$0x0], $0xffff;
	v61 =	vadd.f32 v29, v59  }
0x1ad: {  	v62 =	vld.idx.msk [tilespmem:v31+s18+$0x0], $0xffff;
	v24 =	vadd.f32 v26, v24  }
0x1ae: {  	v21 =	vld.idx.msk [tilespmem:v21+s18+$0x0], $0xffff;
	v25 =	vadd.f32 v30, v61  }
0x1af: {  	v23 =	vadd.f32 v23, v24  }
0x1b0: {  	v63 =	vadd.f32 v60, v25  }
0x1b1: {  	v22 =	vadd.f32 v22, v23  }
0x1b2: {  	v23 =	vadd.f32 v62, v63  }
0x1b3: {  	s0 =	sadd.s32 $0x20, s28;
	s26 =	sadd.s32 $0x1, s26;
	v21 =	vadd.f32 v21, v22  }
0x1b4: {  	p0 =	sne.s32 s26, s13;
	[tilespmem:s0+$0xFFFFFFF0] =	vst v23  }
.Ltmp8:
0x1b5: {  	[tilespmem:s0+$0x0] =	vst v21;
	(pc) =	sbr.rel @p0 .LBB2_1-.Ltmp8, $4  }
0x1b6: {  	[hbm4b:s12+s22] =	stream.strided.scatter [tilespmem:s24], [sflag:$0x5], $0x400, s23, s22, $0x38;
	[tilespmem:$0x14400] =	vst v63  }
0x1b7: {  	_ =	swait.ge [sflag:s25], $0x400  }
0x1b8: {  	[sflag:s25] =	ssyncset.done $0x0  }
0x1b9: {  	[sflag:s25] =	ssyncadd.s32 $0xFFFFFC00  }
0x1ba: {  	_ =	sfence.sel $0x180000  }
0x1bb: {  	[bflag:$0x0] =	sbarrier.arrive $0xFFFF  }
0x1bc: {  	_ =	strace $0x90000047  }
0x1bd: {  	[bflag:$0x2] =	sbarrier.arrive $0xFFFF  }
0x1be: {  	p0 =	sne.s32 s1, $0x0;
	s0 =	rddreg [dreg:$0x2]  }
0x1bf: {  	s0 =	sadd.s32 @!p0 $0x100000, s0  }
0x1c0: {  	[sflag:s0] =	ssyncadd.tile.s32 @!p0 $0x1;
	_ =	shalt  }
.Lfunc_end2:
_tile_overlayer_lowered:
.L_overlay_start_2:
0x1c1: {  	(tag) =	ssettag $0x2  }
0x1c2: {  	s0 =	rddreg [dreg:$0x0];
	s2 =	stileid.u32  }
0x1c3: {  	s1 =	rddreg [dreg:$0x1];
	p0 =	sne.s32 s2, $0x0  }
0x1c4: {  	s3 =	rddreg [dreg:$0x2];
	[bflag:$0x3] =	sbarrier.arrive $0xFFFF;
	s2 =	simm.s32 @!p0 $0x1C05  }
0x1c5: {  	[timem:s3], [sflag:s2] =	dma.local @!p0 [hbm:s0], s1  }
0x1c6: {  	s0 =	simm.s32 @!p0 $0x5  }
0x1c7: {  	_ =	swait.ge @!p0 [sflag:s0], s1  }
0x1c8: {  	s1 =	ssub.s32 @!p0 $0x0, s1;
	[sflag:s0] =	ssyncset.done @!p0 $0x0  }
0x1c9: {  	[sflag:s0] =	ssyncadd.s32 @!p0 s1  }
0x1ca: {  	[bflag:$0x3] =	sbarrier.arrive $0xFFFF  }
0x1cb: {  	_ =	shalt  }

</sc_bundles>
